<compile_context>
chip_gen: v7x
topology: tpu7x:2x2x1
jax: 0.10.2.dev20260603
libtpu: 0.0.44.dev20260713+nightly
codegen_flags: <defaults>
</compile_context>

<pallas_src>
import functools

import jax
import jax.numpy as jnp
from jax import lax
from jax.experimental import pallas as pl
from jax.experimental.pallas import tpu as pltpu
from jax.experimental.pallas import tpu_sc as plsc

N_ROWS = 320000
D = 128
S = 512
NC, NS = 2, 16
NW = NC * NS
ROWS_PER_TILE = N_ROWS // NW
C = 125
NCHUNK = ROWS_PER_TILE // C
NBUF = 4
NGRP = NCHUNK // NBUF
SEG_PER_TILE = S // NS
CW = 16
LANES = 16


def _sc_partial_segsum(x, idx2d, ones_cw):
  mesh = plsc.VectorSubcoreMesh(
      core_axis_name="c", subcore_axis_name="s", num_cores=NC, num_subcores=NS)

  @functools.partial(
      pl.kernel,
      out_type=(
          jax.ShapeDtypeStruct((NC * S, D), jnp.float32),
          jax.ShapeDtypeStruct((NC * S, CW), jnp.float32),
      ),
      mesh=mesh,
      compiler_params=pltpu.CompilerParams(use_tc_tiling_on_sc=False),
      scratch_types=[
          pltpu.VMEM((NCHUNK, C), jnp.int32),
          [pltpu.VMEM((C, D), jnp.float32)] * NBUF,
          pltpu.VMEM((C, CW), jnp.float32),
          pltpu.VMEM((SEG_PER_TILE, CW), jnp.float32),
          pltpu.VMEM_SHARED((S, D), jnp.float32),
          pltpu.VMEM_SHARED((S, CW), jnp.float32),
          [pltpu.SemaphoreType.DMA] * NBUF,
          [pltpu.SemaphoreType.DMA] * NBUF,
          [pltpu.SemaphoreType.DMA] * NBUF,
      ],
  )
  def k(x_hbm, idx_hbm, ones_hbm, psums_hbm, pcnts_hbm, idx_v, xbufs,
        ones_v, zc, sums_sh, cnts_sh, gsems, ssems, csems):
    xbuf0 = xbufs[0]
    cid = lax.axis_index("c")
    sid = lax.axis_index("s")
    wid = cid * NS + sid
    row0 = wid * ROWS_PER_TILE

    pltpu.sync_copy(idx_hbm.at[wid], idx_v)

    zeros16 = jnp.zeros((LANES,), jnp.float32)

    def zrow(i, _):
      xbuf0[i // (D // LANES), pl.ds((i % (D // LANES)) * LANES, LANES)] = zeros16
      return 0
    lax.fori_loop(0, SEG_PER_TILE * (D // LANES), zrow, 0)
    pltpu.sync_copy(ones_hbm.at[pl.ds(0, C)], ones_v)
    pltpu.sync_copy(ones_hbm.at[pl.ds(C, SEG_PER_TILE)], zc)

    pltpu.sync_copy(xbuf0.at[pl.ds(0, SEG_PER_TILE)],
                    sums_sh.at[pl.ds(sid * SEG_PER_TILE, SEG_PER_TILE)])
    pltpu.sync_copy(zc, cnts_sh.at[pl.ds(sid * SEG_PER_TILE, SEG_PER_TILE)])
    plsc.subcore_barrier()

    def gstart(j, b):
      pltpu.async_copy(x_hbm.at[pl.ds(row0 + j * C, C)], xbufs[b], gsems[b])

    def gwait(b):
      pltpu.make_async_copy(x_hbm.at[pl.ds(0, C)], xbufs[b], gsems[b]).wait()

    for b in range(NBUF):
      gstart(b, b)

    def group(p, _):
      j0 = p * NBUF
      descs = []
      for b in range(NBUF):
        gwait(b)
        d1 = pltpu.async_copy(xbufs[b], sums_sh.at[idx_v.at[j0 + b]],
                              ssems[b], add=True)
        d2 = pltpu.async_copy(ones_v, cnts_sh.at[idx_v.at[j0 + b]],
                              csems[b], add=True)
        descs.append((d1, d2))
      for b in range(NBUF):
        d1, d2 = descs[b]
        d1.wait()
        d2.wait()
        @pl.when(p < NGRP - 1)
        def _():
          gstart(j0 + NBUF + b, b)
      return 0
    lax.fori_loop(0, NGRP, group, 0)
    plsc.subcore_barrier()

    pltpu.sync_copy(sums_sh.at[pl.ds(sid * SEG_PER_TILE, SEG_PER_TILE)],
                    xbuf0.at[pl.ds(0, SEG_PER_TILE)])
    pltpu.sync_copy(xbuf0.at[pl.ds(0, SEG_PER_TILE)],
                    psums_hbm.at[pl.ds(cid * S + sid * SEG_PER_TILE,
                                       SEG_PER_TILE)])
    pltpu.sync_copy(cnts_sh.at[pl.ds(sid * SEG_PER_TILE, SEG_PER_TILE)], zc)
    pltpu.sync_copy(zc, pcnts_hbm.at[pl.ds(cid * S + sid * SEG_PER_TILE,
                                           SEG_PER_TILE)])

  return k(x, idx2d, ones_cw)


def _combine(psums, pcnts):
  def body(ps_ref, pc_ref, o_ref):
    sums = ps_ref[0] + ps_ref[1]
    cnts = pc_ref[0, :, 0:1] + pc_ref[1, :, 0:1]
    o_ref[...] = sums / cnts
  return pl.pallas_call(
      body,
      out_shape=jax.ShapeDtypeStruct((S, D), jnp.float32),
  )(psums.reshape(NC, S, D), pcnts.reshape(NC, S, CW))


def kernel(x, batch_index):
  idx2d = batch_index.astype(jnp.int32).reshape(NW, NCHUNK, C)
  ones_cw = jnp.concatenate([jnp.ones((C, CW), jnp.float32),
                             jnp.zeros((SEG_PER_TILE, CW), jnp.float32)])
  psums, pcnts = _sc_partial_segsum(x, idx2d, ones_cw)
  return _combine(psums, pcnts)

# --- scband reference (transcript-rebuilt; emitter-appended) ---
"""Pipeline reference for scband-read-out-6528350290208 (READ-ONLY COPY).

The authoritative reference and input builder live on the scoring server;
editing this copy changes nothing except your own understanding.
"""

import jax, jax.numpy as jnp
import numpy as np


def setup_inputs(seed: int = 0) -> dict:
    key = jax.random.key(seed)
    k_x, k_idx = jax.random.split(key)
    x = jax.random.normal(k_x, (320000, 128), dtype=jnp.float32)
    batch_index = jnp.sort(jax.random.randint(k_idx, (320000,), 0, 512, dtype=jnp.int64))
    return {"x": x, "batch_index": batch_index}


def reference(x, batch_index):
    # Faithful translation of ReadOut.forward: per-graph mean over nodes,
    # number of graphs = batch_index[-1] + 1 (batch_index is sorted).
    num_segments = 512
    sums = jax.ops.segment_sum(x, batch_index, num_segments=num_segments)
    counts = jax.ops.segment_sum(jnp.ones((x.shape[0],), dtype=x.dtype), batch_index, num_segments=num_segments)
    out = sums / counts[:, None]
    return out

if __name__ == "__main__":
    import jax
    _d = setup_inputs()
    print(jax.jit(kernel)(*tuple(_d.values())))

</pallas_src>

<mosaic_0001>
#map = affine_map<(d0, d1) -> (0, 0)>
#map1 = affine_map<(d0, d1) -> (0, 0, 0)>
module attributes {stable_mosaic.version = 14 : i64} {
  func.func @k(%arg0: i32, %arg1: i32, %arg2: memref<320000x128xf32, #tpu.memory_space<hbm>>, %arg3: memref<32x80x125xi32, #tpu.memory_space<hbm>>, %arg4: memref<157x16xf32, #tpu.memory_space<hbm>>, %arg5: memref<1024x128xf32, #tpu.memory_space<hbm>>, %arg6: memref<1024x16xf32, #tpu.memory_space<hbm>>, %arg7: memref<80x125xi32, #tpu.memory_space<vmem>>, %arg8: memref<125x128xf32, #tpu.memory_space<vmem>>, %arg9: memref<125x128xf32, #tpu.memory_space<vmem>>, %arg10: memref<125x128xf32, #tpu.memory_space<vmem>>, %arg11: memref<125x128xf32, #tpu.memory_space<vmem>>, %arg12: memref<125x16xf32, #tpu.memory_space<vmem>>, %arg13: memref<32x16xf32, #tpu.memory_space<vmem>>, %arg14: memref<512x128xf32, #tpu.memory_space<vmem_shared>>, %arg15: memref<512x16xf32, #tpu.memory_space<vmem_shared>>, %arg16: memref<!tpu.dma_semaphore, #tpu.memory_space<semaphore_mem>>, %arg17: memref<!tpu.dma_semaphore, #tpu.memory_space<semaphore_mem>>, %arg18: memref<!tpu.dma_semaphore, #tpu.memory_space<semaphore_mem>>, %arg19: memref<!tpu.dma_semaphore, #tpu.memory_space<semaphore_mem>>, %arg20: memref<!tpu.dma_semaphore, #tpu.memory_space<semaphore_mem>>, %arg21: memref<!tpu.dma_semaphore, #tpu.memory_space<semaphore_mem>>, %arg22: memref<!tpu.dma_semaphore, #tpu.memory_space<semaphore_mem>>, %arg23: memref<!tpu.dma_semaphore, #tpu.memory_space<semaphore_mem>>, %arg24: memref<!tpu.dma_semaphore, #tpu.memory_space<semaphore_mem>>, %arg25: memref<!tpu.dma_semaphore, #tpu.memory_space<semaphore_mem>>, %arg26: memref<!tpu.dma_semaphore, #tpu.memory_space<semaphore_mem>>, %arg27: memref<!tpu.dma_semaphore, #tpu.memory_space<semaphore_mem>>) attributes {dimension_semantics = [#tpu.dimension_semantics<core_parallel>, #tpu.dimension_semantics<subcore_parallel>], iteration_bounds = array<i64: 2, 16>, scalar_prefetch = 0 : i64, scratch_operands = 21 : i64, tpu.core_type = #tpu.core_type<sc_vector_subcore>, window_params = [{transform_indices = #map}, {transform_indices = #map1}, {transform_indices = #map}, {transform_indices = #map}, {transform_indices = #map}]} {
    %mul3A = arith.constant 16 : i32
    %mul3A_0 = arith.muli %arg0, %mul3A : i32
    %add3A = arith.addi %mul3A_0, %arg1 : i32
    %mul3A_1 = arith.constant 10000 : i32
    %mul3A_2 = arith.muli %add3A, %mul3A_1 : i32
    "tpu.region"() ({
      %run_scoped3A = tpu.sem_alloc : memref<!tpu.dma_semaphore, #tpu.memory_space<semaphore_mem>>
      %dma_start3A_59 = arith.constant 0 : i32
      %dma_start3A_60 = arith.constant 0 : i32
      %dma_start3A_61 = tpu.memref_slice %arg3[%add3A, %dma_start3A_59, %dma_start3A_60] : memref<32x80x125xi32, #tpu.memory_space<hbm>> -> memref<1x80x125xi32, #tpu.memory_space<hbm>>
      %dma_start3A_62 = tpu.memref_squeeze %dma_start3A_61 : memref<1x80x125xi32, #tpu.memory_space<hbm>> -> memref<80x125xi32, #tpu.memory_space<hbm>>
      %dma_start3A_63 = arith.constant 0 : i32
      %dma_start3A_64 = arith.constant 0 : i32
      %dma_start3A_65 = tpu.memref_slice %arg3[%add3A, %dma_start3A_63, %dma_start3A_64] : memref<32x80x125xi32, #tpu.memory_space<hbm>> -> memref<1x80x125xi32, #tpu.memory_space<hbm>>
      %dma_start3A_66 = tpu.memref_squeeze %dma_start3A_65 : memref<1x80x125xi32, #tpu.memory_space<hbm>> -> memref<80x125xi32, #tpu.memory_space<hbm>>
      tpu.enqueue_dma source(%dma_start3A_66 : memref<80x125xi32, #tpu.memory_space<hbm>>) target(%arg7 : memref<80x125xi32, #tpu.memory_space<vmem>>) target_semaphore(%run_scoped3A : memref<!tpu.dma_semaphore, #tpu.memory_space<semaphore_mem>>)
      %dma_wait3A = arith.constant 0 : i32
      %dma_wait3A_67 = arith.constant 0 : i32
      %dma_wait3A_68 = tpu.memref_slice %arg3[%add3A, %dma_wait3A, %dma_wait3A_67] : memref<32x80x125xi32, #tpu.memory_space<hbm>> -> memref<1x80x125xi32, #tpu.memory_space<hbm>>
      %dma_wait3A_69 = tpu.memref_squeeze %dma_wait3A_68 : memref<1x80x125xi32, #tpu.memory_space<hbm>> -> memref<80x125xi32, #tpu.memory_space<hbm>>
      %dma_wait3A_70 = arith.constant 0 : i32
      %dma_wait3A_71 = arith.constant 0 : i32
      %dma_wait3A_72 = tpu.memref_slice %arg3[%add3A, %dma_wait3A_70, %dma_wait3A_71] : memref<32x80x125xi32, #tpu.memory_space<hbm>> -> memref<1x80x125xi32, #tpu.memory_space<hbm>>
      %dma_wait3A_73 = tpu.memref_squeeze %dma_wait3A_72 : memref<1x80x125xi32, #tpu.memory_space<hbm>> -> memref<80x125xi32, #tpu.memory_space<hbm>>
      tpu.wait_dma2 semaphore(%run_scoped3A : memref<!tpu.dma_semaphore, #tpu.memory_space<semaphore_mem>>) src(%dma_wait3A_73 : memref<80x125xi32, #tpu.memory_space<hbm>>) dst(%arg7 : memref<80x125xi32, #tpu.memory_space<vmem>>)
      tpu.yield
    }) : () -> ()
    %broadcast_in_dim3A = arith.constant 0.000000e+00 : f32
    %broadcast_in_dim3A_3 = vector.broadcast %broadcast_in_dim3A : f32 to vector<16xf32>
    %scan3A = arith.constant 0 : i32
    %scan3A_4 = arith.constant 0 : i32
    %scan3A_5 = arith.constant 256 : i32
    %scan3A_6 = arith.addi %scan3A_4, %scan3A_5 : i32
    %scan3A_7 = arith.constant 1 : i32
    %scan3A_8 = scf.for %scan3A_59 = %scan3A_4 to %scan3A_6 step %scan3A_7 iter_args(%scan3A_60 = %scan3A) -> (i32)  : i32 {
      %jit3A = arith.constant 8 : i32
      %div3A = arith.divsi %scan3A_59, %jit3A : i32
      %sign3A = arith.constant 0 : i32
      %sign3A_61 = arith.cmpi sgt, %scan3A_59, %sign3A : i32
      %sign3A_62 = arith.extui %sign3A_61 : i1 to i32
      %sign3A_63 = arith.constant 0 : i32
      %sign3A_64 = arith.cmpi slt, %scan3A_59, %sign3A_63 : i32
      %sign3A_65 = arith.extui %sign3A_64 : i1 to i32
      %sign3A_66 = arith.subi %sign3A_62, %sign3A_65 : i32
      %sign3A_67 = arith.constant 0 : i32
      %sign3A_68 = arith.cmpi sgt, %jit3A, %sign3A_67 : i32
      %sign3A_69 = arith.extui %sign3A_68 : i1 to i32
      %sign3A_70 = arith.constant 0 : i32
      %sign3A_71 = arith.cmpi slt, %jit3A, %sign3A_70 : i32
      %sign3A_72 = arith.extui %sign3A_71 : i1 to i32
      %sign3A_73 = arith.subi %sign3A_69, %sign3A_72 : i32
      %ne3A = arith.cmpi ne, %sign3A_66, %sign3A_73 : i32
      %rem3A = arith.remsi %scan3A_59, %jit3A : i32
      %ne3A_74 = arith.constant 0 : i32
      %ne3A_75 = arith.cmpi ne, %rem3A, %ne3A_74 : i32
      %and3A = arith.andi %ne3A, %ne3A_75 : i1
      %sub3A = arith.constant 1 : i32
      %sub3A_76 = arith.subi %div3A, %sub3A : i32
      %select_n3A = arith.select %and3A, %sub3A_76, %div3A : i32
      %jit3A_77 = arith.constant 8 : i32
      %eq3A = arith.constant 0 : i32
      %eq3A_78 = arith.cmpi eq, %jit3A_77, %eq3A : i32
      %jit3A_79 = arith.constant 1 : i32
      %select_n3A_80 = arith.select %eq3A_78, %jit3A_79, %jit3A_77 : i32
      %rem3A_81 = arith.remsi %scan3A_59, %select_n3A_80 : i32
      %ne3A_82 = arith.constant 0 : i32
      %ne3A_83 = arith.cmpi ne, %rem3A_81, %ne3A_82 : i32
      %lt3A = arith.constant 0 : i32
      %lt3A_84 = arith.cmpi slt, %rem3A_81, %lt3A : i32
      %lt3A_85 = arith.constant 0 : i32
      %lt3A_86 = arith.cmpi slt, %select_n3A_80, %lt3A_85 : i32
      %ne3A_87 = arith.xori %lt3A_84, %lt3A_86 : i1
      %and3A_88 = arith.andi %ne3A_87, %ne3A_83 : i1
      %add3A_89 = arith.addi %rem3A_81, %select_n3A_80 : i32
      %select_n3A_90 = arith.select %and3A_88, %add3A_89, %rem3A_81 : i32
      %mul3A_91 = arith.constant 16 : i32
      %mul3A_92 = arith.muli %select_n3A_90, %mul3A_91 : i32
      %swap3A = arith.index_cast %select_n3A : i32 to index
      %swap3A_93 = arith.index_cast %mul3A_92 : i32 to index
      %swap3A_94 = tpu.vector_load %arg8[%swap3A, %swap3A_93] {strides = array<i32>} : memref<125x128xf32, #tpu.memory_space<vmem>>, vector<1x16xf32>,
      %swap3A_95 = vector.shape_cast %swap3A_94 : vector<1x16xf32> to vector<16xf32>
      %swap3A_96 = vector.shape_cast %broadcast_in_dim3A_3 : vector<16xf32> to vector<1x16xf32>
      tpu.vector_store %arg8[%swap3A, %swap3A_93], %swap3A_96 {strides = array<i32>} : memref<125x128xf32, #tpu.memory_space<vmem>>, vector<1x16xf32>,
      %scan3A_97 = arith.constant 0 : i32
      scf.yield %scan3A_97 : i32
    }
    %scan3A_9 = arith.constant 256 : i32
    "tpu.region"() ({
      %run_scoped3A = tpu.sem_alloc : memref<!tpu.dma_semaphore, #tpu.memory_space<semaphore_mem>>
      %dma_start3A_59 = arith.constant 0 : i32
      %dma_start3A_60 = arith.constant 0 : i32
      %dma_start3A_61 = tpu.memref_slice %arg4[%dma_start3A_59, %dma_start3A_60] : memref<157x16xf32, #tpu.memory_space<hbm>> -> memref<125x16xf32, #tpu.memory_space<hbm>>
      %dma_start3A_62 = arith.constant 0 : i32
      %dma_start3A_63 = arith.constant 0 : i32
      %dma_start3A_64 = tpu.memref_slice %arg4[%dma_start3A_62, %dma_start3A_63] : memref<157x16xf32, #tpu.memory_space<hbm>> -> memref<125x16xf32, #tpu.memory_space<hbm>>
      tpu.enqueue_dma source(%dma_start3A_64 : memref<125x16xf32, #tpu.memory_space<hbm>>) target(%arg12 : memref<125x16xf32, #tpu.memory_space<vmem>>) target_semaphore(%run_scoped3A : memref<!tpu.dma_semaphore, #tpu.memory_space<semaphore_mem>>)
      %dma_wait3A = arith.constant 0 : i32
      %dma_wait3A_65 = arith.constant 0 : i32
      %dma_wait3A_66 = tpu.memref_slice %arg4[%dma_wait3A, %dma_wait3A_65] : memref<157x16xf32, #tpu.memory_space<hbm>> -> memref<125x16xf32, #tpu.memory_space<hbm>>
      %dma_wait3A_67 = arith.constant 0 : i32
      %dma_wait3A_68 = arith.constant 0 : i32
      %dma_wait3A_69 = tpu.memref_slice %arg4[%dma_wait3A_67, %dma_wait3A_68] : memref<157x16xf32, #tpu.memory_space<hbm>> -> memref<125x16xf32, #tpu.memory_space<hbm>>
      tpu.wait_dma2 semaphore(%run_scoped3A : memref<!tpu.dma_semaphore, #tpu.memory_space<semaphore_mem>>) src(%dma_wait3A_69 : memref<125x16xf32, #tpu.memory_space<hbm>>) dst(%arg12 : memref<125x16xf32, #tpu.memory_space<vmem>>)
      tpu.yield
    }) : () -> ()
    "tpu.region"() ({
      %run_scoped3A = tpu.sem_alloc : memref<!tpu.dma_semaphore, #tpu.memory_space<semaphore_mem>>
      %dma_start3A_59 = arith.constant 125 : i32
      %dma_start3A_60 = arith.constant 0 : i32
      %dma_start3A_61 = tpu.memref_slice %arg4[%dma_start3A_59, %dma_start3A_60] : memref<157x16xf32, #tpu.memory_space<hbm>> -> memref<32x16xf32, #tpu.memory_space<hbm>>
      %dma_start3A_62 = arith.constant 125 : i32
      %dma_start3A_63 = arith.constant 0 : i32
      %dma_start3A_64 = tpu.memref_slice %arg4[%dma_start3A_62, %dma_start3A_63] : memref<157x16xf32, #tpu.memory_space<hbm>> -> memref<32x16xf32, #tpu.memory_space<hbm>>
      tpu.enqueue_dma source(%dma_start3A_64 : memref<32x16xf32, #tpu.memory_space<hbm>>) target(%arg13 : memref<32x16xf32, #tpu.memory_space<vmem>>) target_semaphore(%run_scoped3A : memref<!tpu.dma_semaphore, #tpu.memory_space<semaphore_mem>>)
      %dma_wait3A = arith.constant 125 : i32
      %dma_wait3A_65 = arith.constant 0 : i32
      %dma_wait3A_66 = tpu.memref_slice %arg4[%dma_wait3A, %dma_wait3A_65] : memref<157x16xf32, #tpu.memory_space<hbm>> -> memref<32x16xf32, #tpu.memory_space<hbm>>
      %dma_wait3A_67 = arith.constant 125 : i32
      %dma_wait3A_68 = arith.constant 0 : i32
      %dma_wait3A_69 = tpu.memref_slice %arg4[%dma_wait3A_67, %dma_wait3A_68] : memref<157x16xf32, #tpu.memory_space<hbm>> -> memref<32x16xf32, #tpu.memory_space<hbm>>
      tpu.wait_dma2 semaphore(%run_scoped3A : memref<!tpu.dma_semaphore, #tpu.memory_space<semaphore_mem>>) src(%dma_wait3A_69 : memref<32x16xf32, #tpu.memory_space<hbm>>) dst(%arg13 : memref<32x16xf32, #tpu.memory_space<vmem>>)
      tpu.yield
    }) : () -> ()
    %mul3A_10 = arith.constant 32 : i32
    %mul3A_11 = arith.muli %arg1, %mul3A_10 : i32
    "tpu.region"() ({
      %run_scoped3A = tpu.sem_alloc : memref<!tpu.dma_semaphore, #tpu.memory_space<semaphore_mem>>
      %dma_start3A_59 = arith.constant 0 : i32
      %dma_start3A_60 = arith.constant 0 : i32
      %dma_start3A_61 = tpu.memref_slice %arg8[%dma_start3A_59, %dma_start3A_60] : memref<125x128xf32, #tpu.memory_space<vmem>> -> memref<32x128xf32, #tpu.memory_space<vmem>>
      %dma_start3A_62 = arith.constant 0 : i32
      %dma_start3A_63 = tpu.memref_slice %arg14[%mul3A_11, %dma_start3A_62] : memref<512x128xf32, #tpu.memory_space<vmem_shared>> -> memref<32x128xf32, #tpu.memory_space<vmem_shared>>
      %dma_start3A_64 = arith.constant 0 : i32
      %dma_start3A_65 = tpu.memref_slice %arg14[%mul3A_11, %dma_start3A_64] : memref<512x128xf32, #tpu.memory_space<vmem_shared>> -> memref<32x128xf32, #tpu.memory_space<vmem_shared>>
      %dma_start3A_66 = arith.constant 0 : i32
      %dma_start3A_67 = arith.constant 0 : i32
      %dma_start3A_68 = tpu.memref_slice %arg8[%dma_start3A_66, %dma_start3A_67] : memref<125x128xf32, #tpu.memory_space<vmem>> -> memref<32x128xf32, #tpu.memory_space<vmem>>
      tpu.enqueue_dma source(%dma_start3A_68 : memref<32x128xf32, #tpu.memory_space<vmem>>) target(%dma_start3A_65 : memref<32x128xf32, #tpu.memory_space<vmem_shared>>) target_semaphore(%run_scoped3A : memref<!tpu.dma_semaphore, #tpu.memory_space<semaphore_mem>>)
      %dma_wait3A = arith.constant 0 : i32
      %dma_wait3A_69 = arith.constant 0 : i32
      %dma_wait3A_70 = tpu.memref_slice %arg8[%dma_wait3A, %dma_wait3A_69] : memref<125x128xf32, #tpu.memory_space<vmem>> -> memref<32x128xf32, #tpu.memory_space<vmem>>
      %dma_wait3A_71 = arith.constant 0 : i32
      %dma_wait3A_72 = tpu.memref_slice %arg14[%mul3A_11, %dma_wait3A_71] : memref<512x128xf32, #tpu.memory_space<vmem_shared>> -> memref<32x128xf32, #tpu.memory_space<vmem_shared>>
      %dma_wait3A_73 = arith.constant 0 : i32
      %dma_wait3A_74 = tpu.memref_slice %arg14[%mul3A_11, %dma_wait3A_73] : memref<512x128xf32, #tpu.memory_space<vmem_shared>> -> memref<32x128xf32, #tpu.memory_space<vmem_shared>>
      %dma_wait3A_75 = arith.constant 0 : i32
      %dma_wait3A_76 = arith.constant 0 : i32
      %dma_wait3A_77 = tpu.memref_slice %arg8[%dma_wait3A_75, %dma_wait3A_76] : memref<125x128xf32, #tpu.memory_space<vmem>> -> memref<32x128xf32, #tpu.memory_space<vmem>>
      tpu.wait_dma2 semaphore(%run_scoped3A : memref<!tpu.dma_semaphore, #tpu.memory_space<semaphore_mem>>) src(%dma_wait3A_77 : memref<32x128xf32, #tpu.memory_space<vmem>>) dst(%dma_wait3A_74 : memref<32x128xf32, #tpu.memory_space<vmem_shared>>)
      tpu.yield
    }) : () -> ()
    %mul3A_12 = arith.constant 32 : i32
    %mul3A_13 = arith.muli %arg1, %mul3A_12 : i32
    "tpu.region"() ({
      %run_scoped3A = tpu.sem_alloc : memref<!tpu.dma_semaphore, #tpu.memory_space<semaphore_mem>>
      %dma_start3A_59 = arith.constant 0 : i32
      %dma_start3A_60 = tpu.memref_slice %arg15[%mul3A_13, %dma_start3A_59] : memref<512x16xf32, #tpu.memory_space<vmem_shared>> -> memref<32x16xf32, #tpu.memory_space<vmem_shared>>
      %dma_start3A_61 = arith.constant 0 : i32
      %dma_start3A_62 = tpu.memref_slice %arg15[%mul3A_13, %dma_start3A_61] : memref<512x16xf32, #tpu.memory_space<vmem_shared>> -> memref<32x16xf32, #tpu.memory_space<vmem_shared>>
      tpu.enqueue_dma source(%arg13 : memref<32x16xf32, #tpu.memory_space<vmem>>) target(%dma_start3A_62 : memref<32x16xf32, #tpu.memory_space<vmem_shared>>) target_semaphore(%run_scoped3A : memref<!tpu.dma_semaphore, #tpu.memory_space<semaphore_mem>>)
      %dma_wait3A = arith.constant 0 : i32
      %dma_wait3A_63 = tpu.memref_slice %arg15[%mul3A_13, %dma_wait3A] : memref<512x16xf32, #tpu.memory_space<vmem_shared>> -> memref<32x16xf32, #tpu.memory_space<vmem_shared>>
      %dma_wait3A_64 = arith.constant 0 : i32
      %dma_wait3A_65 = tpu.memref_slice %arg15[%mul3A_13, %dma_wait3A_64] : memref<512x16xf32, #tpu.memory_space<vmem_shared>> -> memref<32x16xf32, #tpu.memory_space<vmem_shared>>
      tpu.wait_dma2 semaphore(%run_scoped3A : memref<!tpu.dma_semaphore, #tpu.memory_space<semaphore_mem>>) src(%arg13 : memref<32x16xf32, #tpu.memory_space<vmem>>) dst(%dma_wait3A_65 : memref<32x16xf32, #tpu.memory_space<vmem_shared>>)
      tpu.yield
    }) : () -> ()
    %barrier3A = arith.constant 0 : index
    tpu.barrier barrier_id(%barrier3A)
    %add3A_14 = arith.constant 0 : i32
    %add3A_15 = arith.addi %mul3A_2, %add3A_14 : i32
    %dma_start3A = arith.constant 0 : i32
    %dma_start3A_16 = tpu.memref_slice %arg2[%add3A_15, %dma_start3A] : memref<320000x128xf32, #tpu.memory_space<hbm>> -> memref<125x128xf32, #tpu.memory_space<hbm>>
    %dma_start3A_17 = arith.constant 0 : i32
    %dma_start3A_18 = tpu.memref_slice %arg2[%add3A_15, %dma_start3A_17] : memref<320000x128xf32, #tpu.memory_space<hbm>> -> memref<125x128xf32, #tpu.memory_space<hbm>>
    tpu.enqueue_dma source(%dma_start3A_18 : memref<125x128xf32, #tpu.memory_space<hbm>>) target(%arg8 : memref<125x128xf32, #tpu.memory_space<vmem>>) target_semaphore(%arg16 : memref<!tpu.dma_semaphore, #tpu.memory_space<semaphore_mem>>)
    %add3A_19 = arith.constant 125 : i32
    %add3A_20 = arith.addi %mul3A_2, %add3A_19 : i32
    %dma_start3A_21 = arith.constant 0 : i32
    %dma_start3A_22 = tpu.memref_slice %arg2[%add3A_20, %dma_start3A_21] : memref<320000x128xf32, #tpu.memory_space<hbm>> -> memref<125x128xf32, #tpu.memory_space<hbm>>
    %dma_start3A_23 = arith.constant 0 : i32
    %dma_start3A_24 = tpu.memref_slice %arg2[%add3A_20, %dma_start3A_23] : memref<320000x128xf32, #tpu.memory_space<hbm>> -> memref<125x128xf32, #tpu.memory_space<hbm>>
    tpu.enqueue_dma source(%dma_start3A_24 : memref<125x128xf32, #tpu.memory_space<hbm>>) target(%arg9 : memref<125x128xf32, #tpu.memory_space<vmem>>) target_semaphore(%arg17 : memref<!tpu.dma_semaphore, #tpu.memory_space<semaphore_mem>>)
    %add3A_25 = arith.constant 250 : i32
    %add3A_26 = arith.addi %mul3A_2, %add3A_25 : i32
    %dma_start3A_27 = arith.constant 0 : i32
    %dma_start3A_28 = tpu.memref_slice %arg2[%add3A_26, %dma_start3A_27] : memref<320000x128xf32, #tpu.memory_space<hbm>> -> memref<125x128xf32, #tpu.memory_space<hbm>>
    %dma_start3A_29 = arith.constant 0 : i32
    %dma_start3A_30 = tpu.memref_slice %arg2[%add3A_26, %dma_start3A_29] : memref<320000x128xf32, #tpu.memory_space<hbm>> -> memref<125x128xf32, #tpu.memory_space<hbm>>
    tpu.enqueue_dma source(%dma_start3A_30 : memref<125x128xf32, #tpu.memory_space<hbm>>) target(%arg10 : memref<125x128xf32, #tpu.memory_space<vmem>>) target_semaphore(%arg18 : memref<!tpu.dma_semaphore, #tpu.memory_space<semaphore_mem>>)
    %add3A_31 = arith.constant 375 : i32
    %add3A_32 = arith.addi %mul3A_2, %add3A_31 : i32
    %dma_start3A_33 = arith.constant 0 : i32
    %dma_start3A_34 = tpu.memref_slice %arg2[%add3A_32, %dma_start3A_33] : memref<320000x128xf32, #tpu.memory_space<hbm>> -> memref<125x128xf32, #tpu.memory_space<hbm>>
    %dma_start3A_35 = arith.constant 0 : i32
    %dma_start3A_36 = tpu.memref_slice %arg2[%add3A_32, %dma_start3A_35] : memref<320000x128xf32, #tpu.memory_space<hbm>> -> memref<125x128xf32, #tpu.memory_space<hbm>>
    tpu.enqueue_dma source(%dma_start3A_36 : memref<125x128xf32, #tpu.memory_space<hbm>>) target(%arg11 : memref<125x128xf32, #tpu.memory_space<vmem>>) target_semaphore(%arg19 : memref<!tpu.dma_semaphore, #tpu.memory_space<semaphore_mem>>)
    %scan3A_37 = arith.constant 0 : i32
    %scan3A_38 = arith.constant 0 : i32
    %scan3A_39 = arith.constant 20 : i32
    %scan3A_40 = arith.addi %scan3A_38, %scan3A_39 : i32
    %scan3A_41 = arith.constant 1 : i32
    %scan3A_42 = scf.for %scan3A_59 = %scan3A_38 to %scan3A_40 step %scan3A_41 iter_args(%scan3A_60 = %scan3A_37) -> (i32)  : i32 {
      %mul3A_61 = arith.constant 4 : i32
      %mul3A_62 = arith.muli %scan3A_59, %mul3A_61 : i32
      %dma_wait3A = arith.constant 0 : i32
      %dma_wait3A_63 = arith.constant 0 : i32
      %dma_wait3A_64 = tpu.memref_slice %arg2[%dma_wait3A, %dma_wait3A_63] : memref<320000x128xf32, #tpu.memory_space<hbm>> -> memref<125x128xf32, #tpu.memory_space<hbm>>
      %dma_wait3A_65 = arith.constant 0 : i32
      %dma_wait3A_66 = arith.constant 0 : i32
      %dma_wait3A_67 = tpu.memref_slice %arg2[%dma_wait3A_65, %dma_wait3A_66] : memref<320000x128xf32, #tpu.memory_space<hbm>> -> memref<125x128xf32, #tpu.memory_space<hbm>>
      tpu.wait_dma2 semaphore(%arg16 : memref<!tpu.dma_semaphore, #tpu.memory_space<semaphore_mem>>) src(%dma_wait3A_67 : memref<125x128xf32, #tpu.memory_space<hbm>>) dst(%arg8 : memref<125x128xf32, #tpu.memory_space<vmem>>)
      %add3A_68 = arith.constant 0 : i32
      %add3A_69 = arith.addi %mul3A_62, %add3A_68 : i32
      %dma_start3A_70 = arith.constant 0 : i32
      %dma_start3A_71 = tpu.memref_slice %arg7[%add3A_69, %dma_start3A_70] : memref<80x125xi32, #tpu.memory_space<vmem>> -> memref<1x125xi32, #tpu.memory_space<vmem>>
      %dma_start3A_72 = tpu.memref_squeeze %dma_start3A_71 : memref<1x125xi32, #tpu.memory_space<vmem>> -> memref<125xi32, #tpu.memory_space<vmem>>
      %dma_start3A_73 = arith.constant 0 : i32
      %dma_start3A_74 = arith.constant 0 : i32
      %dma_start3A_75 = tpu.memref_slice %arg14[%dma_start3A_73, %dma_start3A_74] : memref<512x128xf32, #tpu.memory_space<vmem_shared>> -> memref<512x128xf32, #tpu.memory_space<vmem_shared>>
      tpu.enqueue_indirect_dma source(%arg8 : memref<125x128xf32, #tpu.memory_space<vmem>>) target(%dma_start3A_75 : memref<512x128xf32, #tpu.memory_space<vmem_shared>>) offsets(%dma_start3A_72 : memref<125xi32, #tpu.memory_space<vmem>>) semaphore(%arg20 : memref<!tpu.dma_semaphore, #tpu.memory_space<semaphore_mem>>) {add = true}
      %add3A_76 = arith.constant 0 : i32
      %add3A_77 = arith.addi %mul3A_62, %add3A_76 : i32
      %dma_start3A_78 = arith.constant 0 : i32
      %dma_start3A_79 = tpu.memref_slice %arg7[%add3A_77, %dma_start3A_78] : memref<80x125xi32, #tpu.memory_space<vmem>> -> memref<1x125xi32, #tpu.memory_space<vmem>>
      %dma_start3A_80 = tpu.memref_squeeze %dma_start3A_79 : memref<1x125xi32, #tpu.memory_space<vmem>> -> memref<125xi32, #tpu.memory_space<vmem>>
      %dma_start3A_81 = arith.constant 0 : i32
      %dma_start3A_82 = arith.constant 0 : i32
      %dma_start3A_83 = tpu.memref_slice %arg15[%dma_start3A_81, %dma_start3A_82] : memref<512x16xf32, #tpu.memory_space<vmem_shared>> -> memref<512x16xf32, #tpu.memory_space<vmem_shared>>
      tpu.enqueue_indirect_dma source(%arg12 : memref<125x16xf32, #tpu.memory_space<vmem>>) target(%dma_start3A_83 : memref<512x16xf32, #tpu.memory_space<vmem_shared>>) offsets(%dma_start3A_80 : memref<125xi32, #tpu.memory_space<vmem>>) semaphore(%arg24 : memref<!tpu.dma_semaphore, #tpu.memory_space<semaphore_mem>>) {add = true}
      %dma_wait3A_84 = arith.constant 0 : i32
      %dma_wait3A_85 = arith.constant 0 : i32
      %dma_wait3A_86 = tpu.memref_slice %arg2[%dma_wait3A_84, %dma_wait3A_85] : memref<320000x128xf32, #tpu.memory_space<hbm>> -> memref<125x128xf32, #tpu.memory_space<hbm>>
      %dma_wait3A_87 = arith.constant 0 : i32
      %dma_wait3A_88 = arith.constant 0 : i32
      %dma_wait3A_89 = tpu.memref_slice %arg2[%dma_wait3A_87, %dma_wait3A_88] : memref<320000x128xf32, #tpu.memory_space<hbm>> -> memref<125x128xf32, #tpu.memory_space<hbm>>
      tpu.wait_dma2 semaphore(%arg17 : memref<!tpu.dma_semaphore, #tpu.memory_space<semaphore_mem>>) src(%dma_wait3A_89 : memref<125x128xf32, #tpu.memory_space<hbm>>) dst(%arg9 : memref<125x128xf32, #tpu.memory_space<vmem>>)
      %add3A_90 = arith.constant 1 : i32
      %add3A_91 = arith.addi %mul3A_62, %add3A_90 : i32
      %dma_start3A_92 = arith.constant 0 : i32
      %dma_start3A_93 = tpu.memref_slice %arg7[%add3A_91, %dma_start3A_92] : memref<80x125xi32, #tpu.memory_space<vmem>> -> memref<1x125xi32, #tpu.memory_space<vmem>>
      %dma_start3A_94 = tpu.memref_squeeze %dma_start3A_93 : memref<1x125xi32, #tpu.memory_space<vmem>> -> memref<125xi32, #tpu.memory_space<vmem>>
      %dma_start3A_95 = arith.constant 0 : i32
      %dma_start3A_96 = arith.constant 0 : i32
      %dma_start3A_97 = tpu.memref_slice %arg14[%dma_start3A_95, %dma_start3A_96] : memref<512x128xf32, #tpu.memory_space<vmem_shared>> -> memref<512x128xf32, #tpu.memory_space<vmem_shared>>
      tpu.enqueue_indirect_dma source(%arg9 : memref<125x128xf32, #tpu.memory_space<vmem>>) target(%dma_start3A_97 : memref<512x128xf32, #tpu.memory_space<vmem_shared>>) offsets(%dma_start3A_94 : memref<125xi32, #tpu.memory_space<vmem>>) semaphore(%arg21 : memref<!tpu.dma_semaphore, #tpu.memory_space<semaphore_mem>>) {add = true}
      %add3A_98 = arith.constant 1 : i32
      %add3A_99 = arith.addi %mul3A_62, %add3A_98 : i32
      %dma_start3A_100 = arith.constant 0 : i32
      %dma_start3A_101 = tpu.memref_slice %arg7[%add3A_99, %dma_start3A_100] : memref<80x125xi32, #tpu.memory_space<vmem>> -> memref<1x125xi32, #tpu.memory_space<vmem>>
      %dma_start3A_102 = tpu.memref_squeeze %dma_start3A_101 : memref<1x125xi32, #tpu.memory_space<vmem>> -> memref<125xi32, #tpu.memory_space<vmem>>
      %dma_start3A_103 = arith.constant 0 : i32
      %dma_start3A_104 = arith.constant 0 : i32
      %dma_start3A_105 = tpu.memref_slice %arg15[%dma_start3A_103, %dma_start3A_104] : memref<512x16xf32, #tpu.memory_space<vmem_shared>> -> memref<512x16xf32, #tpu.memory_space<vmem_shared>>
      tpu.enqueue_indirect_dma source(%arg12 : memref<125x16xf32, #tpu.memory_space<vmem>>) target(%dma_start3A_105 : memref<512x16xf32, #tpu.memory_space<vmem_shared>>) offsets(%dma_start3A_102 : memref<125xi32, #tpu.memory_space<vmem>>) semaphore(%arg25 : memref<!tpu.dma_semaphore, #tpu.memory_space<semaphore_mem>>) {add = true}
      %dma_wait3A_106 = arith.constant 0 : i32
      %dma_wait3A_107 = arith.constant 0 : i32
      %dma_wait3A_108 = tpu.memref_slice %arg2[%dma_wait3A_106, %dma_wait3A_107] : memref<320000x128xf32, #tpu.memory_space<hbm>> -> memref<125x128xf32, #tpu.memory_space<hbm>>
      %dma_wait3A_109 = arith.constant 0 : i32
      %dma_wait3A_110 = arith.constant 0 : i32
      %dma_wait3A_111 = tpu.memref_slice %arg2[%dma_wait3A_109, %dma_wait3A_110] : memref<320000x128xf32, #tpu.memory_space<hbm>> -> memref<125x128xf32, #tpu.memory_space<hbm>>
      tpu.wait_dma2 semaphore(%arg18 : memref<!tpu.dma_semaphore, #tpu.memory_space<semaphore_mem>>) src(%dma_wait3A_111 : memref<125x128xf32, #tpu.memory_space<hbm>>) dst(%arg10 : memref<125x128xf32, #tpu.memory_space<vmem>>)
      %add3A_112 = arith.constant 2 : i32
      %add3A_113 = arith.addi %mul3A_62, %add3A_112 : i32
      %dma_start3A_114 = arith.constant 0 : i32
      %dma_start3A_115 = tpu.memref_slice %arg7[%add3A_113, %dma_start3A_114] : memref<80x125xi32, #tpu.memory_space<vmem>> -> memref<1x125xi32, #tpu.memory_space<vmem>>
      %dma_start3A_116 = tpu.memref_squeeze %dma_start3A_115 : memref<1x125xi32, #tpu.memory_space<vmem>> -> memref<125xi32, #tpu.memory_space<vmem>>
      %dma_start3A_117 = arith.constant 0 : i32
      %dma_start3A_118 = arith.constant 0 : i32
      %dma_start3A_119 = tpu.memref_slice %arg14[%dma_start3A_117, %dma_start3A_118] : memref<512x128xf32, #tpu.memory_space<vmem_shared>> -> memref<512x128xf32, #tpu.memory_space<vmem_shared>>
      tpu.enqueue_indirect_dma source(%arg10 : memref<125x128xf32, #tpu.memory_space<vmem>>) target(%dma_start3A_119 : memref<512x128xf32, #tpu.memory_space<vmem_shared>>) offsets(%dma_start3A_116 : memref<125xi32, #tpu.memory_space<vmem>>) semaphore(%arg22 : memref<!tpu.dma_semaphore, #tpu.memory_space<semaphore_mem>>) {add = true}
      %add3A_120 = arith.constant 2 : i32
      %add3A_121 = arith.addi %mul3A_62, %add3A_120 : i32
      %dma_start3A_122 = arith.constant 0 : i32
      %dma_start3A_123 = tpu.memref_slice %arg7[%add3A_121, %dma_start3A_122] : memref<80x125xi32, #tpu.memory_space<vmem>> -> memref<1x125xi32, #tpu.memory_space<vmem>>
      %dma_start3A_124 = tpu.memref_squeeze %dma_start3A_123 : memref<1x125xi32, #tpu.memory_space<vmem>> -> memref<125xi32, #tpu.memory_space<vmem>>
      %dma_start3A_125 = arith.constant 0 : i32
      %dma_start3A_126 = arith.constant 0 : i32
      %dma_start3A_127 = tpu.memref_slice %arg15[%dma_start3A_125, %dma_start3A_126] : memref<512x16xf32, #tpu.memory_space<vmem_shared>> -> memref<512x16xf32, #tpu.memory_space<vmem_shared>>
      tpu.enqueue_indirect_dma source(%arg12 : memref<125x16xf32, #tpu.memory_space<vmem>>) target(%dma_start3A_127 : memref<512x16xf32, #tpu.memory_space<vmem_shared>>) offsets(%dma_start3A_124 : memref<125xi32, #tpu.memory_space<vmem>>) semaphore(%arg26 : memref<!tpu.dma_semaphore, #tpu.memory_space<semaphore_mem>>) {add = true}
      %dma_wait3A_128 = arith.constant 0 : i32
      %dma_wait3A_129 = arith.constant 0 : i32
      %dma_wait3A_130 = tpu.memref_slice %arg2[%dma_wait3A_128, %dma_wait3A_129] : memref<320000x128xf32, #tpu.memory_space<hbm>> -> memref<125x128xf32, #tpu.memory_space<hbm>>
      %dma_wait3A_131 = arith.constant 0 : i32
      %dma_wait3A_132 = arith.constant 0 : i32
      %dma_wait3A_133 = tpu.memref_slice %arg2[%dma_wait3A_131, %dma_wait3A_132] : memref<320000x128xf32, #tpu.memory_space<hbm>> -> memref<125x128xf32, #tpu.memory_space<hbm>>
      tpu.wait_dma2 semaphore(%arg19 : memref<!tpu.dma_semaphore, #tpu.memory_space<semaphore_mem>>) src(%dma_wait3A_133 : memref<125x128xf32, #tpu.memory_space<hbm>>) dst(%arg11 : memref<125x128xf32, #tpu.memory_space<vmem>>)
      %add3A_134 = arith.constant 3 : i32
      %add3A_135 = arith.addi %mul3A_62, %add3A_134 : i32
      %dma_start3A_136 = arith.constant 0 : i32
      %dma_start3A_137 = tpu.memref_slice %arg7[%add3A_135, %dma_start3A_136] : memref<80x125xi32, #tpu.memory_space<vmem>> -> memref<1x125xi32, #tpu.memory_space<vmem>>
      %dma_start3A_138 = tpu.memref_squeeze %dma_start3A_137 : memref<1x125xi32, #tpu.memory_space<vmem>> -> memref<125xi32, #tpu.memory_space<vmem>>
      %dma_start3A_139 = arith.constant 0 : i32
      %dma_start3A_140 = arith.constant 0 : i32
      %dma_start3A_141 = tpu.memref_slice %arg14[%dma_start3A_139, %dma_start3A_140] : memref<512x128xf32, #tpu.memory_space<vmem_shared>> -> memref<512x128xf32, #tpu.memory_space<vmem_shared>>
      tpu.enqueue_indirect_dma source(%arg11 : memref<125x128xf32, #tpu.memory_space<vmem>>) target(%dma_start3A_141 : memref<512x128xf32, #tpu.memory_space<vmem_shared>>) offsets(%dma_start3A_138 : memref<125xi32, #tpu.memory_space<vmem>>) semaphore(%arg23 : memref<!tpu.dma_semaphore, #tpu.memory_space<semaphore_mem>>) {add = true}
      %add3A_142 = arith.constant 3 : i32
      %add3A_143 = arith.addi %mul3A_62, %add3A_142 : i32
      %dma_start3A_144 = arith.constant 0 : i32
      %dma_start3A_145 = tpu.memref_slice %arg7[%add3A_143, %dma_start3A_144] : memref<80x125xi32, #tpu.memory_space<vmem>> -> memref<1x125xi32, #tpu.memory_space<vmem>>
      %dma_start3A_146 = tpu.memref_squeeze %dma_start3A_145 : memref<1x125xi32, #tpu.memory_space<vmem>> -> memref<125xi32, #tpu.memory_space<vmem>>
      %dma_start3A_147 = arith.constant 0 : i32
      %dma_start3A_148 = arith.constant 0 : i32
      %dma_start3A_149 = tpu.memref_slice %arg15[%dma_start3A_147, %dma_start3A_148] : memref<512x16xf32, #tpu.memory_space<vmem_shared>> -> memref<512x16xf32, #tpu.memory_space<vmem_shared>>
      tpu.enqueue_indirect_dma source(%arg12 : memref<125x16xf32, #tpu.memory_space<vmem>>) target(%dma_start3A_149 : memref<512x16xf32, #tpu.memory_space<vmem_shared>>) offsets(%dma_start3A_146 : memref<125xi32, #tpu.memory_space<vmem>>) semaphore(%arg27 : memref<!tpu.dma_semaphore, #tpu.memory_space<semaphore_mem>>) {add = true}
      %dma_wait3A_150 = arith.constant 0 : i32
      %dma_wait3A_151 = tpu.memref_slice %arg7[%add3A_69, %dma_wait3A_150] : memref<80x125xi32, #tpu.memory_space<vmem>> -> memref<1x125xi32, #tpu.memory_space<vmem>>
      %dma_wait3A_152 = tpu.memref_squeeze %dma_wait3A_151 : memref<1x125xi32, #tpu.memory_space<vmem>> -> memref<125xi32, #tpu.memory_space<vmem>>
      %dma_wait3A_153 = arith.constant 0 : i32
      %dma_wait3A_154 = arith.constant 0 : i32
      %dma_wait3A_155 = tpu.memref_slice %arg14[%dma_wait3A_153, %dma_wait3A_154] : memref<512x128xf32, #tpu.memory_space<vmem_shared>> -> memref<512x128xf32, #tpu.memory_space<vmem_shared>>
      tpu.wait_indirect_dma semaphore(%arg20 : memref<!tpu.dma_semaphore, #tpu.memory_space<semaphore_mem>>) src(%arg8 : memref<125x128xf32, #tpu.memory_space<vmem>>) dst(%dma_wait3A_155 : memref<512x128xf32, #tpu.memory_space<vmem_shared>>)
      %dma_wait3A_156 = arith.constant 0 : i32
      %dma_wait3A_157 = tpu.memref_slice %arg7[%add3A_77, %dma_wait3A_156] : memref<80x125xi32, #tpu.memory_space<vmem>> -> memref<1x125xi32, #tpu.memory_space<vmem>>
      %dma_wait3A_158 = tpu.memref_squeeze %dma_wait3A_157 : memref<1x125xi32, #tpu.memory_space<vmem>> -> memref<125xi32, #tpu.memory_space<vmem>>
      %dma_wait3A_159 = arith.constant 0 : i32
      %dma_wait3A_160 = arith.constant 0 : i32
      %dma_wait3A_161 = tpu.memref_slice %arg15[%dma_wait3A_159, %dma_wait3A_160] : memref<512x16xf32, #tpu.memory_space<vmem_shared>> -> memref<512x16xf32, #tpu.memory_space<vmem_shared>>
      tpu.wait_indirect_dma semaphore(%arg24 : memref<!tpu.dma_semaphore, #tpu.memory_space<semaphore_mem>>) src(%arg12 : memref<125x16xf32, #tpu.memory_space<vmem>>) dst(%dma_wait3A_161 : memref<512x16xf32, #tpu.memory_space<vmem_shared>>)
      %lt3A = arith.constant 19 : i32
      %lt3A_162 = arith.cmpi slt, %scan3A_59, %lt3A : i32
      %convert_element_type3A = arith.extui %lt3A_162 : i1 to i32
      %cond3A = arith.constant 0 : i32
      %cond3A_163 = arith.cmpi ne, %convert_element_type3A, %cond3A : i32
      scf.if %cond3A_163 {
        %add3A_216 = arith.constant 4 : i32
        %add3A_217 = arith.addi %mul3A_62, %add3A_216 : i32
        %add3A_218 = arith.constant 0 : i32
        %add3A_219 = arith.addi %add3A_217, %add3A_218 : i32
        %mul3A_220 = arith.constant 125 : i32
        %mul3A_221 = arith.muli %add3A_219, %mul3A_220 : i32
        %add3A_222 = arith.addi %mul3A_2, %mul3A_221 : i32
        %dma_start3A_223 = arith.constant 0 : i32
        %dma_start3A_224 = tpu.memref_slice %arg2[%add3A_222, %dma_start3A_223] : memref<320000x128xf32, #tpu.memory_space<hbm>> -> memref<125x128xf32, #tpu.memory_space<hbm>>
        %dma_start3A_225 = arith.constant 0 : i32
        %dma_start3A_226 = tpu.memref_slice %arg2[%add3A_222, %dma_start3A_225] : memref<320000x128xf32, #tpu.memory_space<hbm>> -> memref<125x128xf32, #tpu.memory_space<hbm>>
        tpu.enqueue_dma source(%dma_start3A_226 : memref<125x128xf32, #tpu.memory_space<hbm>>) target(%arg8 : memref<125x128xf32, #tpu.memory_space<vmem>>) target_semaphore(%arg16 : memref<!tpu.dma_semaphore, #tpu.memory_space<semaphore_mem>>)
      } else {
      }
      %dma_wait3A_164 = arith.constant 0 : i32
      %dma_wait3A_165 = tpu.memref_slice %arg7[%add3A_91, %dma_wait3A_164] : memref<80x125xi32, #tpu.memory_space<vmem>> -> memref<1x125xi32, #tpu.memory_space<vmem>>
      %dma_wait3A_166 = tpu.memref_squeeze %dma_wait3A_165 : memref<1x125xi32, #tpu.memory_space<vmem>> -> memref<125xi32, #tpu.memory_space<vmem>>
      %dma_wait3A_167 = arith.constant 0 : i32
      %dma_wait3A_168 = arith.constant 0 : i32
      %dma_wait3A_169 = tpu.memref_slice %arg14[%dma_wait3A_167, %dma_wait3A_168] : memref<512x128xf32, #tpu.memory_space<vmem_shared>> -> memref<512x128xf32, #tpu.memory_space<vmem_shared>>
      tpu.wait_indirect_dma semaphore(%arg21 : memref<!tpu.dma_semaphore, #tpu.memory_space<semaphore_mem>>) src(%arg9 : memref<125x128xf32, #tpu.memory_space<vmem>>) dst(%dma_wait3A_169 : memref<512x128xf32, #tpu.memory_space<vmem_shared>>)
      %dma_wait3A_170 = arith.constant 0 : i32
      %dma_wait3A_171 = tpu.memref_slice %arg7[%add3A_99, %dma_wait3A_170] : memref<80x125xi32, #tpu.memory_space<vmem>> -> memref<1x125xi32, #tpu.memory_space<vmem>>
      %dma_wait3A_172 = tpu.memref_squeeze %dma_wait3A_171 : memref<1x125xi32, #tpu.memory_space<vmem>> -> memref<125xi32, #tpu.memory_space<vmem>>
      %dma_wait3A_173 = arith.constant 0 : i32
      %dma_wait3A_174 = arith.constant 0 : i32
      %dma_wait3A_175 = tpu.memref_slice %arg15[%dma_wait3A_173, %dma_wait3A_174] : memref<512x16xf32, #tpu.memory_space<vmem_shared>> -> memref<512x16xf32, #tpu.memory_space<vmem_shared>>
      tpu.wait_indirect_dma semaphore(%arg25 : memref<!tpu.dma_semaphore, #tpu.memory_space<semaphore_mem>>) src(%arg12 : memref<125x16xf32, #tpu.memory_space<vmem>>) dst(%dma_wait3A_175 : memref<512x16xf32, #tpu.memory_space<vmem_shared>>)
      %lt3A_176 = arith.constant 19 : i32
      %lt3A_177 = arith.cmpi slt, %scan3A_59, %lt3A_176 : i32
      %convert_element_type3A_178 = arith.extui %lt3A_177 : i1 to i32
      %cond3A_179 = arith.constant 0 : i32
      %cond3A_180 = arith.cmpi ne, %convert_element_type3A_178, %cond3A_179 : i32
      scf.if %cond3A_180 {
        %add3A_216 = arith.constant 4 : i32
        %add3A_217 = arith.addi %mul3A_62, %add3A_216 : i32
        %add3A_218 = arith.constant 1 : i32
        %add3A_219 = arith.addi %add3A_217, %add3A_218 : i32
        %mul3A_220 = arith.constant 125 : i32
        %mul3A_221 = arith.muli %add3A_219, %mul3A_220 : i32
        %add3A_222 = arith.addi %mul3A_2, %mul3A_221 : i32
        %dma_start3A_223 = arith.constant 0 : i32
        %dma_start3A_224 = tpu.memref_slice %arg2[%add3A_222, %dma_start3A_223] : memref<320000x128xf32, #tpu.memory_space<hbm>> -> memref<125x128xf32, #tpu.memory_space<hbm>>
        %dma_start3A_225 = arith.constant 0 : i32
        %dma_start3A_226 = tpu.memref_slice %arg2[%add3A_222, %dma_start3A_225] : memref<320000x128xf32, #tpu.memory_space<hbm>> -> memref<125x128xf32, #tpu.memory_space<hbm>>
        tpu.enqueue_dma source(%dma_start3A_226 : memref<125x128xf32, #tpu.memory_space<hbm>>) target(%arg9 : memref<125x128xf32, #tpu.memory_space<vmem>>) target_semaphore(%arg17 : memref<!tpu.dma_semaphore, #tpu.memory_space<semaphore_mem>>)
      } else {
      }
      %dma_wait3A_181 = arith.constant 0 : i32
      %dma_wait3A_182 = tpu.memref_slice %arg7[%add3A_113, %dma_wait3A_181] : memref<80x125xi32, #tpu.memory_space<vmem>> -> memref<1x125xi32, #tpu.memory_space<vmem>>
      %dma_wait3A_183 = tpu.memref_squeeze %dma_wait3A_182 : memref<1x125xi32, #tpu.memory_space<vmem>> -> memref<125xi32, #tpu.memory_space<vmem>>
      %dma_wait3A_184 = arith.constant 0 : i32
      %dma_wait3A_185 = arith.constant 0 : i32
      %dma_wait3A_186 = tpu.memref_slice %arg14[%dma_wait3A_184, %dma_wait3A_185] : memref<512x128xf32, #tpu.memory_space<vmem_shared>> -> memref<512x128xf32, #tpu.memory_space<vmem_shared>>
      tpu.wait_indirect_dma semaphore(%arg22 : memref<!tpu.dma_semaphore, #tpu.memory_space<semaphore_mem>>) src(%arg10 : memref<125x128xf32, #tpu.memory_space<vmem>>) dst(%dma_wait3A_186 : memref<512x128xf32, #tpu.memory_space<vmem_shared>>)
      %dma_wait3A_187 = arith.constant 0 : i32
      %dma_wait3A_188 = tpu.memref_slice %arg7[%add3A_121, %dma_wait3A_187] : memref<80x125xi32, #tpu.memory_space<vmem>> -> memref<1x125xi32, #tpu.memory_space<vmem>>
      %dma_wait3A_189 = tpu.memref_squeeze %dma_wait3A_188 : memref<1x125xi32, #tpu.memory_space<vmem>> -> memref<125xi32, #tpu.memory_space<vmem>>
      %dma_wait3A_190 = arith.constant 0 : i32
      %dma_wait3A_191 = arith.constant 0 : i32
      %dma_wait3A_192 = tpu.memref_slice %arg15[%dma_wait3A_190, %dma_wait3A_191] : memref<512x16xf32, #tpu.memory_space<vmem_shared>> -> memref<512x16xf32, #tpu.memory_space<vmem_shared>>
      tpu.wait_indirect_dma semaphore(%arg26 : memref<!tpu.dma_semaphore, #tpu.memory_space<semaphore_mem>>) src(%arg12 : memref<125x16xf32, #tpu.memory_space<vmem>>) dst(%dma_wait3A_192 : memref<512x16xf32, #tpu.memory_space<vmem_shared>>)
      %lt3A_193 = arith.constant 19 : i32
      %lt3A_194 = arith.cmpi slt, %scan3A_59, %lt3A_193 : i32
      %convert_element_type3A_195 = arith.extui %lt3A_194 : i1 to i32
      %cond3A_196 = arith.constant 0 : i32
      %cond3A_197 = arith.cmpi ne, %convert_element_type3A_195, %cond3A_196 : i32
      scf.if %cond3A_197 {
        %add3A_216 = arith.constant 4 : i32
        %add3A_217 = arith.addi %mul3A_62, %add3A_216 : i32
        %add3A_218 = arith.constant 2 : i32
        %add3A_219 = arith.addi %add3A_217, %add3A_218 : i32
        %mul3A_220 = arith.constant 125 : i32
        %mul3A_221 = arith.muli %add3A_219, %mul3A_220 : i32
        %add3A_222 = arith.addi %mul3A_2, %mul3A_221 : i32
        %dma_start3A_223 = arith.constant 0 : i32
        %dma_start3A_224 = tpu.memref_slice %arg2[%add3A_222, %dma_start3A_223] : memref<320000x128xf32, #tpu.memory_space<hbm>> -> memref<125x128xf32, #tpu.memory_space<hbm>>
        %dma_start3A_225 = arith.constant 0 : i32
        %dma_start3A_226 = tpu.memref_slice %arg2[%add3A_222, %dma_start3A_225] : memref<320000x128xf32, #tpu.memory_space<hbm>> -> memref<125x128xf32, #tpu.memory_space<hbm>>
        tpu.enqueue_dma source(%dma_start3A_226 : memref<125x128xf32, #tpu.memory_space<hbm>>) target(%arg10 : memref<125x128xf32, #tpu.memory_space<vmem>>) target_semaphore(%arg18 : memref<!tpu.dma_semaphore, #tpu.memory_space<semaphore_mem>>)
      } else {
      }
      %dma_wait3A_198 = arith.constant 0 : i32
      %dma_wait3A_199 = tpu.memref_slice %arg7[%add3A_135, %dma_wait3A_198] : memref<80x125xi32, #tpu.memory_space<vmem>> -> memref<1x125xi32, #tpu.memory_space<vmem>>
      %dma_wait3A_200 = tpu.memref_squeeze %dma_wait3A_199 : memref<1x125xi32, #tpu.memory_space<vmem>> -> memref<125xi32, #tpu.memory_space<vmem>>
      %dma_wait3A_201 = arith.constant 0 : i32
      %dma_wait3A_202 = arith.constant 0 : i32
      %dma_wait3A_203 = tpu.memref_slice %arg14[%dma_wait3A_201, %dma_wait3A_202] : memref<512x128xf32, #tpu.memory_space<vmem_shared>> -> memref<512x128xf32, #tpu.memory_space<vmem_shared>>
      tpu.wait_indirect_dma semaphore(%arg23 : memref<!tpu.dma_semaphore, #tpu.memory_space<semaphore_mem>>) src(%arg11 : memref<125x128xf32, #tpu.memory_space<vmem>>) dst(%dma_wait3A_203 : memref<512x128xf32, #tpu.memory_space<vmem_shared>>)
      %dma_wait3A_204 = arith.constant 0 : i32
      %dma_wait3A_205 = tpu.memref_slice %arg7[%add3A_143, %dma_wait3A_204] : memref<80x125xi32, #tpu.memory_space<vmem>> -> memref<1x125xi32, #tpu.memory_space<vmem>>
      %dma_wait3A_206 = tpu.memref_squeeze %dma_wait3A_205 : memref<1x125xi32, #tpu.memory_space<vmem>> -> memref<125xi32, #tpu.memory_space<vmem>>
      %dma_wait3A_207 = arith.constant 0 : i32
      %dma_wait3A_208 = arith.constant 0 : i32
      %dma_wait3A_209 = tpu.memref_slice %arg15[%dma_wait3A_207, %dma_wait3A_208] : memref<512x16xf32, #tpu.memory_space<vmem_shared>> -> memref<512x16xf32, #tpu.memory_space<vmem_shared>>
      tpu.wait_indirect_dma semaphore(%arg27 : memref<!tpu.dma_semaphore, #tpu.memory_space<semaphore_mem>>) src(%arg12 : memref<125x16xf32, #tpu.memory_space<vmem>>) dst(%dma_wait3A_209 : memref<512x16xf32, #tpu.memory_space<vmem_shared>>)
      %lt3A_210 = arith.constant 19 : i32
      %lt3A_211 = arith.cmpi slt, %scan3A_59, %lt3A_210 : i32
      %convert_element_type3A_212 = arith.extui %lt3A_211 : i1 to i32
      %cond3A_213 = arith.constant 0 : i32
      %cond3A_214 = arith.cmpi ne, %convert_element_type3A_212, %cond3A_213 : i32
      scf.if %cond3A_214 {
        %add3A_216 = arith.constant 4 : i32
        %add3A_217 = arith.addi %mul3A_62, %add3A_216 : i32
        %add3A_218 = arith.constant 3 : i32
        %add3A_219 = arith.addi %add3A_217, %add3A_218 : i32
        %mul3A_220 = arith.constant 125 : i32
        %mul3A_221 = arith.muli %add3A_219, %mul3A_220 : i32
        %add3A_222 = arith.addi %mul3A_2, %mul3A_221 : i32
        %dma_start3A_223 = arith.constant 0 : i32
        %dma_start3A_224 = tpu.memref_slice %arg2[%add3A_222, %dma_start3A_223] : memref<320000x128xf32, #tpu.memory_space<hbm>> -> memref<125x128xf32, #tpu.memory_space<hbm>>
        %dma_start3A_225 = arith.constant 0 : i32
        %dma_start3A_226 = tpu.memref_slice %arg2[%add3A_222, %dma_start3A_225] : memref<320000x128xf32, #tpu.memory_space<hbm>> -> memref<125x128xf32, #tpu.memory_space<hbm>>
        tpu.enqueue_dma source(%dma_start3A_226 : memref<125x128xf32, #tpu.memory_space<hbm>>) target(%arg11 : memref<125x128xf32, #tpu.memory_space<vmem>>) target_semaphore(%arg19 : memref<!tpu.dma_semaphore, #tpu.memory_space<semaphore_mem>>)
      } else {
      }
      %scan3A_215 = arith.constant 0 : i32
      scf.yield %scan3A_215 : i32
    }
    %scan3A_43 = arith.constant 20 : i32
    %barrier3A_44 = arith.constant 0 : index
    tpu.barrier barrier_id(%barrier3A_44)
    %mul3A_45 = arith.constant 32 : i32
    %mul3A_46 = arith.muli %arg1, %mul3A_45 : i32
    "tpu.region"() ({
      %run_scoped3A = tpu.sem_alloc : memref<!tpu.dma_semaphore, #tpu.memory_space<semaphore_mem>>
      %dma_start3A_59 = arith.constant 0 : i32
      %dma_start3A_60 = arith.constant 0 : i32
      %dma_start3A_61 = tpu.memref_slice %arg8[%dma_start3A_59, %dma_start3A_60] : memref<125x128xf32, #tpu.memory_space<vmem>> -> memref<32x128xf32, #tpu.memory_space<vmem>>
      %dma_start3A_62 = arith.constant 0 : i32
      %dma_start3A_63 = tpu.memref_slice %arg14[%mul3A_46, %dma_start3A_62] : memref<512x128xf32, #tpu.memory_space<vmem_shared>> -> memref<32x128xf32, #tpu.memory_space<vmem_shared>>
      %dma_start3A_64 = arith.constant 0 : i32
      %dma_start3A_65 = arith.constant 0 : i32
      %dma_start3A_66 = tpu.memref_slice %arg8[%dma_start3A_64, %dma_start3A_65] : memref<125x128xf32, #tpu.memory_space<vmem>> -> memref<32x128xf32, #tpu.memory_space<vmem>>
      %dma_start3A_67 = arith.constant 0 : i32
      %dma_start3A_68 = tpu.memref_slice %arg14[%mul3A_46, %dma_start3A_67] : memref<512x128xf32, #tpu.memory_space<vmem_shared>> -> memref<32x128xf32, #tpu.memory_space<vmem_shared>>
      tpu.enqueue_dma source(%dma_start3A_68 : memref<32x128xf32, #tpu.memory_space<vmem_shared>>) target(%dma_start3A_66 : memref<32x128xf32, #tpu.memory_space<vmem>>) target_semaphore(%run_scoped3A : memref<!tpu.dma_semaphore, #tpu.memory_space<semaphore_mem>>)
      %dma_wait3A = arith.constant 0 : i32
      %dma_wait3A_69 = arith.constant 0 : i32
      %dma_wait3A_70 = tpu.memref_slice %arg8[%dma_wait3A, %dma_wait3A_69] : memref<125x128xf32, #tpu.memory_space<vmem>> -> memref<32x128xf32, #tpu.memory_space<vmem>>
      %dma_wait3A_71 = arith.constant 0 : i32
      %dma_wait3A_72 = tpu.memref_slice %arg14[%mul3A_46, %dma_wait3A_71] : memref<512x128xf32, #tpu.memory_space<vmem_shared>> -> memref<32x128xf32, #tpu.memory_space<vmem_shared>>
      %dma_wait3A_73 = arith.constant 0 : i32
      %dma_wait3A_74 = arith.constant 0 : i32
      %dma_wait3A_75 = tpu.memref_slice %arg8[%dma_wait3A_73, %dma_wait3A_74] : memref<125x128xf32, #tpu.memory_space<vmem>> -> memref<32x128xf32, #tpu.memory_space<vmem>>
      %dma_wait3A_76 = arith.constant 0 : i32
      %dma_wait3A_77 = tpu.memref_slice %arg14[%mul3A_46, %dma_wait3A_76] : memref<512x128xf32, #tpu.memory_space<vmem_shared>> -> memref<32x128xf32, #tpu.memory_space<vmem_shared>>
      tpu.wait_dma2 semaphore(%run_scoped3A : memref<!tpu.dma_semaphore, #tpu.memory_space<semaphore_mem>>) src(%dma_wait3A_77 : memref<32x128xf32, #tpu.memory_space<vmem_shared>>) dst(%dma_wait3A_75 : memref<32x128xf32, #tpu.memory_space<vmem>>)
      tpu.yield
    }) : () -> ()
    %mul3A_47 = arith.constant 512 : i32
    %mul3A_48 = arith.muli %arg0, %mul3A_47 : i32
    %mul3A_49 = arith.constant 32 : i32
    %mul3A_50 = arith.muli %arg1, %mul3A_49 : i32
    %add3A_51 = arith.addi %mul3A_48, %mul3A_50 : i32
    "tpu.region"() ({
      %run_scoped3A = tpu.sem_alloc : memref<!tpu.dma_semaphore, #tpu.memory_space<semaphore_mem>>
      %dma_start3A_59 = arith.constant 0 : i32
      %dma_start3A_60 = arith.constant 0 : i32
      %dma_start3A_61 = tpu.memref_slice %arg8[%dma_start3A_59, %dma_start3A_60] : memref<125x128xf32, #tpu.memory_space<vmem>> -> memref<32x128xf32, #tpu.memory_space<vmem>>
      %dma_start3A_62 = arith.constant 0 : i32
      %dma_start3A_63 = tpu.memref_slice %arg5[%add3A_51, %dma_start3A_62] : memref<1024x128xf32, #tpu.memory_space<hbm>> -> memref<32x128xf32, #tpu.memory_space<hbm>>
      %dma_start3A_64 = arith.constant 0 : i32
      %dma_start3A_65 = tpu.memref_slice %arg5[%add3A_51, %dma_start3A_64] : memref<1024x128xf32, #tpu.memory_space<hbm>> -> memref<32x128xf32, #tpu.memory_space<hbm>>
      %dma_start3A_66 = arith.constant 0 : i32
      %dma_start3A_67 = arith.constant 0 : i32
      %dma_start3A_68 = tpu.memref_slice %arg8[%dma_start3A_66, %dma_start3A_67] : memref<125x128xf32, #tpu.memory_space<vmem>> -> memref<32x128xf32, #tpu.memory_space<vmem>>
      tpu.enqueue_dma source(%dma_start3A_68 : memref<32x128xf32, #tpu.memory_space<vmem>>) target(%dma_start3A_65 : memref<32x128xf32, #tpu.memory_space<hbm>>) target_semaphore(%run_scoped3A : memref<!tpu.dma_semaphore, #tpu.memory_space<semaphore_mem>>)
      %dma_wait3A = arith.constant 0 : i32
      %dma_wait3A_69 = arith.constant 0 : i32
      %dma_wait3A_70 = tpu.memref_slice %arg8[%dma_wait3A, %dma_wait3A_69] : memref<125x128xf32, #tpu.memory_space<vmem>> -> memref<32x128xf32, #tpu.memory_space<vmem>>
      %dma_wait3A_71 = arith.constant 0 : i32
      %dma_wait3A_72 = tpu.memref_slice %arg5[%add3A_51, %dma_wait3A_71] : memref<1024x128xf32, #tpu.memory_space<hbm>> -> memref<32x128xf32, #tpu.memory_space<hbm>>
      %dma_wait3A_73 = arith.constant 0 : i32
      %dma_wait3A_74 = tpu.memref_slice %arg5[%add3A_51, %dma_wait3A_73] : memref<1024x128xf32, #tpu.memory_space<hbm>> -> memref<32x128xf32, #tpu.memory_space<hbm>>
      %dma_wait3A_75 = arith.constant 0 : i32
      %dma_wait3A_76 = arith.constant 0 : i32
      %dma_wait3A_77 = tpu.memref_slice %arg8[%dma_wait3A_75, %dma_wait3A_76] : memref<125x128xf32, #tpu.memory_space<vmem>> -> memref<32x128xf32, #tpu.memory_space<vmem>>
      tpu.wait_dma2 semaphore(%run_scoped3A : memref<!tpu.dma_semaphore, #tpu.memory_space<semaphore_mem>>) src(%dma_wait3A_77 : memref<32x128xf32, #tpu.memory_space<vmem>>) dst(%dma_wait3A_74 : memref<32x128xf32, #tpu.memory_space<hbm>>)
      tpu.yield
    }) : () -> ()
    %mul3A_52 = arith.constant 32 : i32
    %mul3A_53 = arith.muli %arg1, %mul3A_52 : i32
    "tpu.region"() ({
      %run_scoped3A = tpu.sem_alloc : memref<!tpu.dma_semaphore, #tpu.memory_space<semaphore_mem>>
      %dma_start3A_59 = arith.constant 0 : i32
      %dma_start3A_60 = tpu.memref_slice %arg15[%mul3A_53, %dma_start3A_59] : memref<512x16xf32, #tpu.memory_space<vmem_shared>> -> memref<32x16xf32, #tpu.memory_space<vmem_shared>>
      %dma_start3A_61 = arith.constant 0 : i32
      %dma_start3A_62 = tpu.memref_slice %arg15[%mul3A_53, %dma_start3A_61] : memref<512x16xf32, #tpu.memory_space<vmem_shared>> -> memref<32x16xf32, #tpu.memory_space<vmem_shared>>
      tpu.enqueue_dma source(%dma_start3A_62 : memref<32x16xf32, #tpu.memory_space<vmem_shared>>) target(%arg13 : memref<32x16xf32, #tpu.memory_space<vmem>>) target_semaphore(%run_scoped3A : memref<!tpu.dma_semaphore, #tpu.memory_space<semaphore_mem>>)
      %dma_wait3A = arith.constant 0 : i32
      %dma_wait3A_63 = tpu.memref_slice %arg15[%mul3A_53, %dma_wait3A] : memref<512x16xf32, #tpu.memory_space<vmem_shared>> -> memref<32x16xf32, #tpu.memory_space<vmem_shared>>
      %dma_wait3A_64 = arith.constant 0 : i32
      %dma_wait3A_65 = tpu.memref_slice %arg15[%mul3A_53, %dma_wait3A_64] : memref<512x16xf32, #tpu.memory_space<vmem_shared>> -> memref<32x16xf32, #tpu.memory_space<vmem_shared>>
      tpu.wait_dma2 semaphore(%run_scoped3A : memref<!tpu.dma_semaphore, #tpu.memory_space<semaphore_mem>>) src(%dma_wait3A_65 : memref<32x16xf32, #tpu.memory_space<vmem_shared>>) dst(%arg13 : memref<32x16xf32, #tpu.memory_space<vmem>>)
      tpu.yield
    }) : () -> ()
    %mul3A_54 = arith.constant 512 : i32
    %mul3A_55 = arith.muli %arg0, %mul3A_54 : i32
    %mul3A_56 = arith.constant 32 : i32
    %mul3A_57 = arith.muli %arg1, %mul3A_56 : i32
    %add3A_58 = arith.addi %mul3A_55, %mul3A_57 : i32
    "tpu.region"() ({
      %run_scoped3A = tpu.sem_alloc : memref<!tpu.dma_semaphore, #tpu.memory_space<semaphore_mem>>
      %dma_start3A_59 = arith.constant 0 : i32
      %dma_start3A_60 = tpu.memref_slice %arg6[%add3A_58, %dma_start3A_59] : memref<1024x16xf32, #tpu.memory_space<hbm>> -> memref<32x16xf32, #tpu.memory_space<hbm>>
      %dma_start3A_61 = arith.constant 0 : i32
      %dma_start3A_62 = tpu.memref_slice %arg6[%add3A_58, %dma_start3A_61] : memref<1024x16xf32, #tpu.memory_space<hbm>> -> memref<32x16xf32, #tpu.memory_space<hbm>>
      tpu.enqueue_dma source(%arg13 : memref<32x16xf32, #tpu.memory_space<vmem>>) target(%dma_start3A_62 : memref<32x16xf32, #tpu.memory_space<hbm>>) target_semaphore(%run_scoped3A : memref<!tpu.dma_semaphore, #tpu.memory_space<semaphore_mem>>)
      %dma_wait3A = arith.constant 0 : i32
      %dma_wait3A_63 = tpu.memref_slice %arg6[%add3A_58, %dma_wait3A] : memref<1024x16xf32, #tpu.memory_space<hbm>> -> memref<32x16xf32, #tpu.memory_space<hbm>>
      %dma_wait3A_64 = arith.constant 0 : i32
      %dma_wait3A_65 = tpu.memref_slice %arg6[%add3A_58, %dma_wait3A_64] : memref<1024x16xf32, #tpu.memory_space<hbm>> -> memref<32x16xf32, #tpu.memory_space<hbm>>
      tpu.wait_dma2 semaphore(%run_scoped3A : memref<!tpu.dma_semaphore, #tpu.memory_space<semaphore_mem>>) src(%arg13 : memref<32x16xf32, #tpu.memory_space<vmem>>) dst(%dma_wait3A_65 : memref<32x16xf32, #tpu.memory_space<hbm>>)
      tpu.yield
    }) : () -> ()
    return
  }
}

module attributes {stable_mosaic.version = 14 : i64} {
  func.func @body(%arg0: memref<2x512x128xf32, #tpu.memory_space<vmem>>, %arg1: memref<2x512x16xf32, #tpu.memory_space<vmem>>, %arg2: memref<512x128xf32, #tpu.memory_space<vmem>>) attributes {dimension_semantics = [], scalar_prefetch = 0 : i64, scratch_operands = 0 : i64, tpu.core_type = #tpu.core_type<tc>} {
    %get3A = arith.constant 0 : index
    %get3A_0 = arith.constant 0 : index
    %get3A_1 = arith.constant 0 : index
    %get3A_2 = vector.load %arg0[%get3A, %get3A_0, %get3A_1] : memref<2x512x128xf32, #tpu.memory_space<vmem>>, vector<1x512x128xf32>
    %get3A_3 = vector.shape_cast %get3A_2 : vector<1x512x128xf32> to vector<512x128xf32>
    %get3A_4 = arith.constant 1 : index
    %get3A_5 = arith.constant 0 : index
    %get3A_6 = arith.constant 0 : index
    %get3A_7 = vector.load %arg0[%get3A_4, %get3A_5, %get3A_6] : memref<2x512x128xf32, #tpu.memory_space<vmem>>, vector<1x512x128xf32>
    %get3A_8 = vector.shape_cast %get3A_7 : vector<1x512x128xf32> to vector<512x128xf32>
    %add3A = arith.addf %get3A_3, %get3A_8 : vector<512x128xf32>
    %get3A_9 = arith.constant 0 : index
    %get3A_10 = arith.constant 0 : index
    %get3A_11 = arith.constant 0 : index
    %get3A_12 = vector.load %arg1[%get3A_9, %get3A_10, %get3A_11] : memref<2x512x16xf32, #tpu.memory_space<vmem>>, vector<1x512x1xf32>
    %get3A_13 = vector.shape_cast %get3A_12 : vector<1x512x1xf32> to vector<512x1xf32>
    %get3A_14 = arith.constant 1 : index
    %get3A_15 = arith.constant 0 : index
    %get3A_16 = arith.constant 0 : index
    %get3A_17 = vector.load %arg1[%get3A_14, %get3A_15, %get3A_16] : memref<2x512x16xf32, #tpu.memory_space<vmem>>, vector<1x512x1xf32>
    %get3A_18 = vector.shape_cast %get3A_17 : vector<1x512x1xf32> to vector<512x1xf32>
    %add3A_19 = arith.addf %get3A_13, %get3A_18 : vector<512x1xf32>
    %div3A = vector.broadcast %add3A_19 : vector<512x1xf32> to vector<512x128xf32>
    %div3A_20 = arith.divf %add3A, %div3A : vector<512x128xf32>
    %swap3A = arith.constant 0 : index
    %swap3A_21 = arith.constant 0 : index
    %swap3A_22 = vector.load %arg2[%swap3A, %swap3A_21] : memref<512x128xf32, #tpu.memory_space<vmem>>, vector<512x128xf32>
    tpu.vector_store %arg2[%swap3A, %swap3A_21], %div3A_20 {strides = array<i32>} : memref<512x128xf32, #tpu.memory_space<vmem>>, vector<512x128xf32>,
    return
  }
}

</mosaic_0001>

<sc_bundles>
// kernel: kernel.4.cloned.1.call-start
scs
__scs_entry_jumppad:
0x0: {  	(pc) =	sbr.rel $0x88, $3  }
0x1: {  	(tag) =	ssettag $0x0;
	lr =	simm.s32 $0x1  }
0x2: {  	[smem:$0x3F9F] =	sst lr;
	_ =	strace $0xD0000000  }
0x3: {  	_ = 	snop  }
0x4: {  	_ = 	snop  }
0x5: {  	_ = 	snop  }
0x6: {  	_ = 	snop  }
0x7: {  	_ = 	snop  }
__scs_overlays_trampoline_lowered:
0x8: {  	[smem:$0x3FAE] =	sst s0  }
0x9: {  	[smem:$0x3FAF] =	sst s1  }
0xa: {  	[smem:$0x3FB0] =	sst s2  }
0xb: {  	[smem:$0x3FB1] =	sst s3  }
0xc: {  	[smem:$0x3FB2] =	sst s4  }
0xd: {  	[smem:$0x3FB3] =	sst s5  }
0xe: {  	[smem:$0x3FB4] =	sst s6  }
0xf: {  	[smem:$0x3FB5] =	sst s7  }
0x10: {  	[smem:$0x3FB6] =	sst s8  }
0x11: {  	[smem:$0x3FB7] =	sst s9;
	s0 =	simm.s32 @!p0 $0x0  }
0x12: {  	s1 =	sld [smem:$0x3F9D];
	s0 =	simm.s32 @p0 $0x1  }
0x13: {  	[smem:$0x3FB8] =	sst s0;
	s0 =	simm.s32 @!p1 $0x0  }
0x14: {  	s2 =	sld [smem:$0x3F9C];
	s0 =	simm.s32 @p1 $0x1  }
0x15: {  	[smem:$0x3FB9] =	sst s0;
	s0 =	simm.s32 @!p2 $0x0  }
0x16: {  	s3 =	sld [smem:$0x3FDB];
	s0 =	simm.s32 @p2 $0x1  }
0x17: {  	s4 =	simm.s32 $0x1BF5;
	[smem:$0x3FBB] =	sst s0  }
0x18: {  	s0 =	sld [smem:$0x3F9E];
	_ =	swait.ge [sflag:s4], $0x0  }
0x19: {  	s7 =	sld [smem:$0x3F9F]  }
0x1a: {  	s8 =	sadd.s32 $0xFFFFE003, lr  }
0x1b: {  	s9 =	sadd.s32 $0xFFFFFEF7, lr;
	s5 =	simm.s32 $0xFFFFFFFF;
	p2 =	slt.u32 s8, $0xFFFFF086  }
0x1c: {  	p1 =	slt.u32 s9, $0xF7A;
	s5 =	simm.s32 @!p2 $0x0  }
0x1d: {  	s5 =	simm.s32 @p1 $0x1;
	p0 =	seq.s32 s7, s2  }
0x1e: {  	s7 =	smul.u32 @!p0 $0xF7A, s2;
	p2 =	seq.s32 @!p0 s5, $0x0  }
0x1f: {  	s9 =	smul.u32 $0xF7A, s1;
	s8 =	simm.s32 @!p0 $0x1BF5;
	p2 =	por !p2, p0  }
0x20: {  	[sflag:s8] =	ssyncset.s32 @!p0 $0xFFFFF086;
	s6 =	sadd.s32 @!p0 s3, s7;
	s7 =	simm.s32 @!p0 $0x108  }
0x21: {  	s3 =	sadd.s32 s3, s9;
	s6 =	sadd.s32 @!p0 $0x88, s6;
	s7 =	simm.s32 @p2 $0x1082  }
0x22: {  	[simem:s7], [sflag:s8] =	dma.local @!p0 [hbm:s6], $0xF7A  }
0x23: {  	s9 =	sor.u32 $0xD0000000, s2;
	s6 =	simm.s32 $0x108;
	_ =	swait.ge @!p0 [sflag:s8], $0x0  }
0x24: {  	s3 =	sadd.s32 $0x88, s3;
	s6 =	simm.s32 @!p1 $0x1082;
	[sflag:s4] =	ssyncset.s32 $0xFFFFF086  }
0x25: {  	[simem:s6], [sflag:s4] =	dma.local [hbm:s3], $0xF7A  }
0x26: {  	[smem:$0x3F9F] =	sst s1;
	(tag) =	ssettag s2;
	_ =	strace s9  }
0x27: {  	s1 =	sld [smem:$0x3FAF]  }
0x28: {  	s2 =	sld [smem:$0x3FB0]  }
0x29: {  	s4 =	sld [smem:$0x3FB2]  }
0x2a: {  	p0 =	seq.s32 s5, $0x0;
	s5 =	sld [smem:$0x3FB3]  }
0x2b: {  	s6 =	sld [smem:$0x3FB4]  }
0x2c: {  	s7 =	sld [smem:$0x3FB5]  }
0x2d: {  	s3 =	simm.s32 $0x108;
	s8 =	sld [smem:$0x3FB6]  }
0x2e: {  	s3 =	simm.s32 @!p0 $0x1082;
	s9 =	sld [smem:$0x3FB7]  }
0x2f: {  	lr =	sadd.s32 s0, s3;
	s0 =	sld [smem:$0x3FAE]  }
0x30: {  	s3 =	sld [smem:$0x3FB1]  }
0x31: {  	[smem:$0x3FBA] =	sst s10  }
0x32: {  	s10 =	sld [smem:$0x3FB8];
	_ =	sdelay $0x3  }
0x33: {  	p0 =	seq.s32 s10, $0x1;
	s10 =	sld [smem:$0x3FBA];
	_ =	sdelay $0x3  }
0x34: {  	[smem:$0x3FBA] =	sst s10  }
0x35: {  	s10 =	sld [smem:$0x3FB9];
	_ =	sdelay $0x3  }
0x36: {  	p1 =	seq.s32 s10, $0x1;
	s10 =	sld [smem:$0x3FBA];
	_ =	sdelay $0x3  }
0x37: {  	[smem:$0x3FBA] =	sst s10  }
0x38: {  	s10 =	sld [smem:$0x3FBB]  }
0x39: {  	_ = 	snop;
	(pc) =	sbr.ind lr, $3  }
0x3a: {  	_ = 	snop  }
0x3b: {  	_ = 	snop  }
0x3c: {  	p2 =	seq.s32 s10, $0x1;
	s10 =	sld [smem:$0x3FBA]  }
0x3d: {  	_ =	shalt  }
0x3e: {  	_ =	shalt  }
0x3f: {  	_ =	shalt  }
0x40: {  	_ =	shalt  }
0x41: {  	_ =	shalt  }
0x42: {  	_ =	shalt  }
0x43: {  	_ =	shalt  }
0x44: {  	_ =	shalt  }
0x45: {  	_ =	shalt  }
0x46: {  	_ =	shalt  }
0x47: {  	_ =	shalt  }
0x48: {  	_ =	shalt  }
0x49: {  	_ =	shalt  }
0x4a: {  	_ =	shalt  }
0x4b: {  	_ =	shalt  }
0x4c: {  	_ =	shalt  }
0x4d: {  	_ =	shalt  }
0x4e: {  	_ =	shalt  }
0x4f: {  	_ =	shalt  }
0x50: {  	_ =	shalt  }
0x51: {  	_ =	shalt  }
0x52: {  	_ =	shalt  }
0x53: {  	_ =	shalt  }
0x54: {  	_ =	shalt  }
0x55: {  	_ =	shalt  }
0x56: {  	_ =	shalt  }
0x57: {  	_ =	shalt  }
0x58: {  	_ =	shalt  }
0x59: {  	_ =	shalt  }
0x5a: {  	_ =	shalt  }
0x5b: {  	_ =	shalt  }
0x5c: {  	_ =	shalt  }
0x5d: {  	_ =	shalt  }
0x5e: {  	_ =	shalt  }
0x5f: {  	_ =	shalt  }
0x60: {  	_ =	shalt  }
0x61: {  	_ =	shalt  }
0x62: {  	_ =	shalt  }
0x63: {  	_ =	shalt  }
0x64: {  	_ =	shalt  }
0x65: {  	_ =	shalt  }
0x66: {  	_ =	shalt  }
0x67: {  	_ =	shalt  }
0x68: {  	_ =	shalt  }
0x69: {  	_ =	shalt  }
0x6a: {  	_ =	shalt  }
0x6b: {  	_ =	shalt  }
0x6c: {  	_ =	shalt  }
0x6d: {  	_ =	shalt  }
0x6e: {  	_ =	shalt  }
0x6f: {  	_ =	shalt  }
0x70: {  	_ =	shalt  }
0x71: {  	_ =	shalt  }
0x72: {  	_ =	shalt  }
0x73: {  	_ =	shalt  }
0x74: {  	_ =	shalt  }
0x75: {  	_ =	shalt  }
0x76: {  	_ =	shalt  }
0x77: {  	_ =	shalt  }
0x78: {  	_ =	shalt  }
0x79: {  	_ =	shalt  }
0x7a: {  	_ =	shalt  }
0x7b: {  	_ =	shalt  }
0x7c: {  	_ =	shalt  }
0x7d: {  	_ =	shalt  }
0x7e: {  	_ =	shalt  }
0x7f: {  	_ =	shalt  }
0x80: {  	_ =	shalt  }
0x81: {  	_ =	shalt  }
0x82: {  	_ =	shalt  }
0x83: {  	_ =	shalt  }
0x84: {  	_ =	shalt  }
0x85: {  	_ =	shalt  }
0x86: {  	_ =	shalt  }
0x87: {  	_ =	shalt  }
.Lfunc_end0:
.L_simem_size_0:
called_computation_lowered:
.L_overlay_start_0:
0x88: {  	s2 =	sld [smem:$0x3FD9]  }
0x89: {  	s3 =	sld [smem:$0x3FFE];
	_ =	sdelay $0x1  }
0x8a: {  	s1 =	srdreg.scid  }
0x8b: {  	s0 =	sand.u32 $0x1, s1  }
0x8c: {  	s17 =	sshll.u32 s0, $0xA;
	s2 =	sadd.s32 s3, s2  }
0x8d: {  	s2 =	sadd.s32 s2, s17  }
0x8e: {  	[smem:$0x3FC6] =	sst s2  }
0x8f: {  	_ = 	snop  }
0x90: {  	s2 =	sld [smem:$0x3FC9]  }
0x91: {  	s18 =	sld [smem:$0x3FD0];
	(tm) =	ssettm $0x1  }
0x92: {  	s4 =	sld [smem:$0x3FFB];
	_ =	sdelay $0x3  }
0x93: {  	_ =	strace s4  }
0x94: {  	s4 =	sld [smem:$0x3FFC];
	_ =	sdelay $0x3  }
0x95: {  	_ =	strace s4  }
0x96: {  	s4 =	sld [smem:$0x3FFD];
	_ =	sdelay $0x3  }
0x97: {  	_ =	strace s4  }
0x98: {  	_ =	strace $0x8FFFFFFF  }
0x99: {  	s19 =	sld [smem:$0x3FDB];
	_ =	sdelay $0x1  }
0x9a: {  	s5 =	simm.s32 $_scs_section_size  }
0x9b: {  	s6 =	simm.s32 $_size__tile_overlayer_lowered;
	s7 =	simm.s32 $_tile_overlayer_lowered  }
0x9c: {  	s22 =	simm.s32 $0x1BFF;
	s21 =	sshll.u32 s7, $0x1;
	s4 =	sadd.s32 s5, s19  }
0x9d: {  	s8 =	simm.s32 $0x0;
	s20 =	sshll.u32 s6, $0x1;
	s6 =	sadd.s32 s21, s4  }
0x9e: {  	[timem:s8], [sflag:s22] =	dma.local [hbm:s6], s20  }
0x9f: {  	_ =	swait.ge [sflag:s22], s20  }
0xa0: {  	s5 =	ssub.s32 $0x0, s20;
	[sflag:s22] =	ssyncset.done $0x0  }
0xa1: {  	[sflag:s22] =	ssyncadd.s32 s5;
	_ =	sdelay $0x1  }
0xa2: {  	s23 =	simm.s32 $0x1B8B  }
0xa3: {  	_ =	swait.ge [sflag:s23], $0x1  }
0xa4: {  	[sflag:s23] =	ssyncset.done $0x0  }
0xa5: {  	s25 =	simm.s32 $0x1B8E;
	s24 =	sld [smem:$0x3FFE];
	[sflag:s23] =	ssyncadd.s32 $0xFFFFFFFF  }
0xa6: {  	s26 =	simm.s32 $execute0_lowered;
	[smem:$0x3FD2] =	sst s25  }
0xa7: {  	s6 =	sshll.u32 s26, $0x1;
	_ =	strace $0x80000046;
	[dreg:$0x1] =	wrdreg $0xFFFFFFFF  }
0xa8: {  	s28 =	simm.s32 $_size_execute0_lowered;
	s4 =	sadd.s32 s4, s6;
	[dreg:$0x0] =	wrdreg $0x0  }
0xa9: {  	s6 =	sshll.u32 s28, $0x1;
	[dreg:$0x2] =	wrdreg s4  }
0xaa: {  	[dreg:$0x3] =	wrdreg s6  }
0xab: {  	[dreg:$0x4] =	wrdreg $0xC0  }
0xac: {  	_ =	task [dreg:s8], $0x5FFFF  }
0xad: {  	[dreg:$0x1] =	wrdreg $0xFFFFFFFF  }
0xae: {  	[dreg:$0x0] =	wrdreg $0x60  }
0xaf: {  	[dreg:$0x2] =	wrdreg s2  }
0xb0: {  	[dreg:$0x3] =	wrdreg s24  }
0xb1: {  	[dreg:$0x4] =	wrdreg s18  }
0xb2: {  	[dreg:$0x5] =	wrdreg $0x12BD00  }
0xb3: {  	[dreg:$0x6] =	wrdreg $0x13BD00  }
0xb4: {  	[dreg:$0x7] =	wrdreg $0x9  }
0xb5: {  	_ =	task.clear_ibuf [dreg:s8], $0x8FFFF;
	_ =	strace $0x90000046  }
0xb6: {  	s29 =	simm.s32 $0x9;
	_ =	strace $0x80000048  }
0xb7: {  	_ =	swait.ge [sflag:s29], $0x1  }
0xb8: {  	[sflag:s29] =	ssyncadd.s32 $0xFFFFFFFF  }
0xb9: {  	_ =	strace $0x90000048  }
0xba: {  	_ =	sfence  }
0xbb: {  	s30 =	sld [smem:$0x0];
	_ =	sdelay $0x2  }
0xbc: {  	s31 =	sshll.u32 s1, $0xD;
	s1 =	sshrl.u32 s1, $0x2  }
0xbd: {  	s3 =	sand.u32 $0x4000, s31;
	s1 =	sadd.s32 s1, s30  }
0xbe: {  	s0 =	sor.u32 s3, s0;
	s1 =	sshll.u32 s1, $0x11  }
0xbf: {  	s0 =	sor.u32 s1, s0  }
0xc0: {  	s0 =	sadd.s32 $0x8F2B, s0  }
0xc1: {  	[sflag:s0] =	ssyncadd.remote.s32 $0x1  }
0xc2: {  	_ =	sfence.sel $0xFFFF  }
0xc3: {  	[dreg:$0x0] =	wrdreg $0xFFFFFFFF;
	(pc) =	sbr.abs _section_cstart, $3  }
0xc4: {  	[dreg:$0x1] =	wrdreg $0xFFFFFFFF  }
0xc5: {  	_ =	task.clear_ibuf [dreg:s8], $0x2FFFF;
	_ =	strace $0x9FFFFFFF  }
0xc6: {  	(tm) =	ssettm $0x7FFFFFFF  }
0xc7: {  	_ =	shalt  }
tec
execute0_lowered:
.L_overlay_start_1:
0x0: {  	(tag) =	ssettag $0x1  }
0x1: {  	s0 =	rddreg [dreg:$0x0]  }
0x2: {  	s1 =	rddreg [dreg:$0x1]  }
0x3: {  	s5 =	rddreg [dreg:$0x2];
	s3 =	srdreg.scid  }
0x4: {  	s2 =	rddreg [dreg:$0x3];
	s14 =	stileid.u32  }
0x5: {  	s4 =	simm.s32 $0x0;
	s28 =	simm.s32 $0xE380;
	s29 =	simm.s32 $0x1  }
0x6: {  	s30 =	simm.s32 $0x7D;
	s6 =	sand.u32 $0x1, s3;
	s3 =	rddreg [dreg:$0x4]  }
0x7: {  	s31 =	simm.s32 $0x2;
	[smem:$0x7FF] =	sst s4;
	s9 =	sshll.u32 s14, $0x5  }
0x8: {  	s11 =	sadd.s32 $0xC00, s1;
	s18 =	sshll.u32 s14, $0xC;
	s20 =	sshll.u32 s14, $0x9  }
0x9: {  	s7 =	sshll.u32 s6, $0x4;
	_ =	strace $0x80000047;
	s10 =	sshll.u32 s6, $0x9  }
0xa: {  	s16 =	ssub.s32 $0x2, s6;
	[dreg:$0x6] =	wrdreg s11;
	s19 =	smul.u32 $0x27100, s6  }
0xb: {  	s6 =	sadd.s32 s20, s3;
	s7 =	sor.u32 s14, s7;
	s14 =	smul.u32 $0x2710, s14  }
0xc: {  	s10 =	sor.u32 s9, s10;
	s12 =	sshrl.u32 s16, $0x1;
	s8 =	smul.u32 $0x500, s7  }
0xd: {  	s9 =	sadd.s32 s18, s2;
	[dreg:$0x9] =	wrdreg s6;
	s13 =	smul.u32 $0x27100, s7  }
0xe: {  	s17 =	sshll.u32 s10, $0x4;
	s12 =	ssub.s32 s16, s12;
	s7 =	smul.u32 $0x138800, s7  }
0xf: {  	s24 =	sshll.u32 s10, $0x1;
	s10 =	simm.s32 $0xB;
	s11 =	sadd.s32 s17, s1  }
0x10: {  	s5 =	sadd.s32 s5, s24;
	s26 =	smax.u32 s12, $0x1;
	s24 =	simm.s32 $0x2800  }
0x11: {  	s12 =	simm.s32 $0xC;
	s8 =	sadd.s32 s8, s1;
	s1 =	sadd.s32 $0xCFA, s1  }
0x12: {  	s7 =	sshrl.u32 s7, $0x3;
	s21 =	sadd.s32 s0, s13;
	[dreg:$0xf] =	wrdreg s5  }
0x13: {  	s25 =	sadd.s32 $0xAE00, s11;
	[dreg:$0x10] =	wrdreg s26;
	s26 =	simm.s32 $0xA500  }
0x14: {  	s5 =	simm.s32 $0x5;
	s11 =	simm.s32 $0x8;
	[dreg:$0x8] =	wrdreg s1  }
0x15: {  	s13 =	simm.s32 $0x0;
	s8 =	sadd.s32 $0xE00, s8;
	[dreg:$0xa] =	wrdreg s21  }
0x16: {  	s22 =	sadd.s32 s0, s7;
	s1 =	sadd.s32 s14, s19;
	[dreg:$0xe] =	wrdreg s25  }
0x17: {  	s21 =	simm.s32 $0xD;
	[dreg:$0x7] =	wrdreg s8;
	s7 =	sadd.s32 $0x7D0, s22  }
0x18: {  	s25 =	simm.s32 $0x6680;
	s23 =	sadd.s32 $0xFA0, s22;
	[dreg:$0xb] =	wrdreg s7  }
.Ltmp0:
0x19: {  	s6 =	sadd.s32 $0x1770, s22;
	[dreg:$0xc] =	wrdreg s23;
	(pc) =	sbr.rel .LBB2_1-.Ltmp0, $4  }
0x1a: {  	s1 =	sshll.u32 s1, $0x4;
	s22 =	simm.s32 $0x12200;
	[dreg:$0xd] =	wrdreg s6  }
0x1b: {  	s0 =	sadd.s32 s0, s1;
	s1 =	simm.s32 $0x4;
	s6 =	simm.s32 $0x9  }
0x1c: {  	s7 =	simm.s32 $0x7;
	s17 =	sadd.s32 $0x36B0, s0;
	s18 =	sadd.s32 $0x2EE0, s0  }
0x1d: {  	v0 =	vimm.f32 $0.0e+00;
	s19 =	sadd.s32 $0x2710, s0;
	s20 =	sadd.s32 $0x1F40, s0;
	s0 =	simm.s32 $0x3  }
.LBB2_6:
0x1e: {  	_ =	swait.ge [sflag:s11], $0x3E80  }
0x1f: {  	[sflag:s11] =	ssyncset.done $0x0  }
0x20: {  	[sflag:s11] =	ssyncadd.s32 $0xFFFFC180  }
0x21: {  	_ =	swait.ge [sflag:s12], $0x7D0  }
0x22: {  	[sflag:s12] =	ssyncset.done $0x0  }
0x23: {  	[sflag:s12] =	ssyncadd.s32 $0xFFFFF830  }
0x24: {  	[bflag:$0x0] =	sbarrier.arrive $0xFFFF  }
0x25: {  	[tilespmem:s24], [sflag:$0xD] =	stream.linear.gather [spmem:s23], $0x1000, $0x38;
	[tilespmem:$0x13DD0] =	vst v63  }
0x26: {  	_ =	swait.ge [sflag:s21], $0x1000  }
0x27: {  	[sflag:s21] =	ssyncset.done $0x0  }
0x28: {  	s8 =	rddreg [dreg:$0xe];
	[sflag:s21] =	ssyncadd.s32 $0xFFFFF000  }
0x29: {  	[hbm4b:s8+s4] =	stream.linear.scatter [tilespmem:s24], [sflag:$0xD], $0x1000, $0x38;
	[tilespmem:$0x13DD0] =	vst v63  }
0x2a: {  	_ =	swait.ge [sflag:s21], $0x1000  }
0x2b: {  	[sflag:s21] =	ssyncset.done $0x0  }
0x2c: {  	s14 =	simm.s32 $0x129D0;
	s15 =	rddreg [dreg:$0x9];
	[sflag:s21] =	ssyncadd.s32 $0xFFFFF000  }
0x2d: {  	[tilespmem:s14], [sflag:$0xD] =	stream.linear.gather [spmem:s15], $0x200, $0x38;
	[tilespmem:$0x13DD0] =	vst v63  }
0x2e: {  	_ =	swait.ge [sflag:s21], $0x200  }
0x2f: {  	[sflag:s21] =	ssyncset.done $0x0  }
0x30: {  	s16 =	rddreg [dreg:$0xf];
	[sflag:s21] =	ssyncadd.s32 $0xFFFFFE00  }
0x31: {  	[hbm4b:s16+s4] =	stream.linear.scatter [tilespmem:s14], [sflag:$0xD], $0x200, $0x38;
	[tilespmem:$0x13DD0] =	vst v63  }
0x32: {  	_ =	swait.ge [sflag:s21], $0x200  }
0x33: {  	s9 =	smov.u32 s23;
	s13 =	sadd.s32 $0x1, s13;
	s23 =	rddreg [dreg:$0x10]  }
0x34: {  	p0 =	sne.s32 s13, s23  }
.Ltmp1:
0x35: {  	_ = 	snop;
	(pc) =	sbr.rel @!p0 .LBB2_7-.Ltmp1, $3  }
0x36: {  	_ =	sdelay $0x1  }
0x37: {  	[sflag:s21] =	ssyncset.done $0x0  }
0x38: {  	[sflag:s21] =	ssyncadd.s32 $0xFFFFFE00  }
.LBB2_1:
0x39: {  	s8 =	rddreg [dreg:$0x7]  }
0x3a: {  	[tilespmem:s4], [sflag:$0xD] =	stream.linear.gather [hbm4b:s8+s4], $0x2800, $0x38;
	[tilespmem:$0x13DD0] =	vst v63  }
0x3b: {  	s14 =	sand.u32 $0x3E00, s4;
	s15 =	sand.u32 $0x70, s4;
	_ =	swait.ge [sflag:s21], $0x2800  }
0x3c: {  	s16 =	sshrl.u32 s14, $0x2;
	s14 =	simm.s32 $0x40;
	[sflag:s21] =	ssyncset.done $0x0  }
0x3d: {  	s16 =	sor.u32 s15, s16;
	s15 =	simm.s32 $0x0;
	[sflag:s21] =	ssyncadd.s32 $0xFFFFD800  }
.LBB2_2:
0x3e: {  	p0 =	sne.s32 s14, $0x3FC0  }
0x3f: {  	[tilespmem:s16+$0x2800] =	vst v0;
	s15 =	sadd.s32 $0x10, s15;
	s16 =	smov.u32 s14;
	s14 =	sadd.s32 $0x40, s14  }
.Ltmp2:
0x40: {  	(pc) =	sbr.rel @p0 .LBB2_2-.Ltmp2, $4  }
0x41: {  	_ = 	snop  }
0x42: {  	s16 =	sand.u32 $0x3E00, s16  }
0x43: {  	s8 =	sand.u32 $0x70, s15;
	s16 =	sshrl.u32 s16, $0x2  }
0x44: {  	s16 =	sor.u32 s8, s16  }
0x45: {  	[tilespmem:s16+$0x2800] =	vst v0;
	s14 =	simm.s32 $0x0;
	s8 =	rddreg [dreg:$0x6]  }
0x46: {  	[tilespmem:s22], [sflag:$0xD] =	stream.linear.gather [hbm4b:s8+s14], $0x7D0, $0x38;
	[tilespmem:$0x13DD0] =	vst v63  }
0x47: {  	_ =	swait.ge [sflag:s21], $0x7D0  }
0x48: {  	[sflag:s21] =	ssyncset.done $0x0  }
0x49: {  	s15 =	simm.s32 $0x129D0;
	s23 =	rddreg [dreg:$0x8];
	[sflag:s21] =	ssyncadd.s32 $0xFFFFF830  }
0x4a: {  	[tilespmem:s15], [sflag:$0xD] =	stream.linear.gather [hbm4b:s23+s14], $0x200, $0x38;
	[tilespmem:$0x13DD0] =	vst v63  }
0x4b: {  	_ =	swait.ge [sflag:s21], $0x200  }
0x4c: {  	[sflag:s21] =	ssyncset.done $0x0  }
0x4d: {  	[sflag:s21] =	ssyncadd.s32 $0xFFFFFE00  }
0x4e: {  	[spmem:s9] =	stream.linear.scatter [tilespmem:s24], [sflag:$0xD], $0x1000, $0x38;
	[tilespmem:$0x13DD0] =	vst v63  }
0x4f: {  	_ =	swait.ge [sflag:s21], $0x1000  }
0x50: {  	[sflag:s21] =	ssyncset.done $0x0  }
0x51: {  	s23 =	smov.u32 s9;
	s9 =	rddreg [dreg:$0x9];
	[sflag:s21] =	ssyncadd.s32 $0xFFFFF000  }
0x52: {  	[spmem:s9] =	stream.linear.scatter [tilespmem:s15], [sflag:$0xD], $0x200, $0x38;
	[tilespmem:$0x13DD0] =	vst v63  }
0x53: {  	_ =	swait.ge [sflag:s21], $0x200  }
0x54: {  	[sflag:s21] =	ssyncset.done $0x0  }
0x55: {  	[sflag:s21] =	ssyncadd.s32 $0xFFFFFE00  }
0x56: {  	[bflag:$0x0] =	sbarrier.arrive $0xFFFF  }
0x57: {  	s16 =	rddreg [dreg:$0xa]  }
0x58: {  	[tilespmem:s24], [sflag:$0x1] =	stream.linear.gather [hbm4b:s16+s14], $0x3E80, $0x38;
	[tilespmem:$0x13DD0] =	vst v63  }
0x59: {  	s9 =	rddreg [dreg:$0xb]  }
0x5a: {  	[tilespmem:s25], [sflag:$0x2] =	stream.linear.gather [hbm4b:s9+s14], $0x3E80, $0x38;
	[tilespmem:$0x13DD0] =	vst v63  }
0x5b: {  	s15 =	rddreg [dreg:$0xc]  }
0x5c: {  	[tilespmem:s26], [sflag:$0x3] =	stream.linear.gather [hbm4b:s15+s14], $0x3E80, $0x38;
	[tilespmem:$0x13DD0] =	vst v63  }
0x5d: {  	s16 =	rddreg [dreg:$0xd];
	s15 =	simm.s32 $0x180  }
0x5e: {  	[tilespmem:s28], [sflag:$0x4] =	stream.linear.gather [hbm4b:s16+s14], $0x3E80, $0x38;
	[tilespmem:$0x13DD0] =	vst v63  }
.LBB2_4:
0x5f: {  	_ =	swait.ge [sflag:s29], $0x3E80  }
0x60: {  	[sflag:s29] =	ssyncset.done $0x0  }
0x61: {  	s8 =	sadd.s32 $0xFFFFFE80, s15;
	[sflag:s29] =	ssyncadd.s32 $0xFFFFC180  }
0x62: {  	[spmem:s2] =	stream.indirect.scatter.add.f32 [tilespmem:s24], [sflag:$0x5], $0x80, s8, s30, $0xb8;
	[tilespmem:$0x13DD0] =	vst v63  }
0x63: {  	_ = 	snop  }
0x64: {  	[spmem:s3] =	stream.indirect.scatter.add.f32 [tilespmem:s22], [sflag:$0x9], $0x10, s8, s30, $0xb8;
	[tilespmem:$0x13DD0] =	vst v63  }
0x65: {  	_ =	swait.ge [sflag:s31], $0x3E80  }
0x66: {  	[sflag:s31] =	ssyncset.done $0x0  }
0x67: {  	s9 =	sadd.s32 $0xFFFFFF00, s15;
	[sflag:s31] =	ssyncadd.s32 $0xFFFFC180  }
0x68: {  	[spmem:s2] =	stream.indirect.scatter.add.f32 [tilespmem:s25], [sflag:$0x6], $0x80, s9, s30, $0xb8;
	[tilespmem:$0x13DD0] =	vst v63  }
0x69: {  	_ = 	snop  }
0x6a: {  	[spmem:s3] =	stream.indirect.scatter.add.f32 [tilespmem:s22], [sflag:$0xA], $0x10, s9, s30, $0xb8;
	[tilespmem:$0x13DD0] =	vst v63  }
0x6b: {  	_ =	swait.ge [sflag:s0], $0x3E80  }
0x6c: {  	[sflag:s0] =	ssyncset.done $0x0  }
0x6d: {  	s16 =	sadd.s32 $0xFFFFFF80, s15;
	[sflag:s0] =	ssyncadd.s32 $0xFFFFC180  }
0x6e: {  	[spmem:s2] =	stream.indirect.scatter.add.f32 [tilespmem:s26], [sflag:$0x7], $0x80, s16, s30, $0xb8;
	[tilespmem:$0x13DD0] =	vst v63  }
0x6f: {  	_ = 	snop  }
0x70: {  	[spmem:s3] =	stream.indirect.scatter.add.f32 [tilespmem:s22], [sflag:$0xB], $0x10, s16, s30, $0xb8;
	[tilespmem:$0x13DD0] =	vst v63  }
0x71: {  	_ =	swait.ge [sflag:s1], $0x3E80  }
0x72: {  	[sflag:s1] =	ssyncset.done $0x0  }
0x73: {  	[sflag:s1] =	ssyncadd.s32 $0xFFFFC180  }
0x74: {  	[spmem:s2] =	stream.indirect.scatter.add.f32 [tilespmem:s28], [sflag:$0x8], $0x80, s15, s30, $0xb8;
	[tilespmem:$0x13DD0] =	vst v63  }
0x75: {  	_ = 	snop  }
0x76: {  	[spmem:s3] =	stream.indirect.scatter.add.f32 [tilespmem:s22], [sflag:$0xC], $0x10, s15, s30, $0xb8;
	[tilespmem:$0x13DD0] =	vst v63  }
0x77: {  	_ =	swait.ge [sflag:s5], $0x3E80  }
0x78: {  	[sflag:s5] =	ssyncset.done $0x0  }
0x79: {  	[sflag:s5] =	ssyncadd.s32 $0xFFFFC180  }
0x7a: {  	_ =	swait.ge [sflag:s6], $0x7D0  }
0x7b: {  	p0 =	seq.s32 s14, $0x251C0;
	[sflag:s6] =	ssyncset.done $0x0  }
0x7c: {  	s8 =	simm.s32 @p0 $0x6;
	[sflag:s6] =	ssyncadd.s32 $0xFFFFF830  }
0x7d: {  	_ =	swait.ge @p0 [sflag:s8], $0x3E80  }
0x7e: {  	[sflag:s8] =	ssyncset.done @p0 $0x0  }
0x7f: {  	[sflag:s8] =	ssyncadd.s32 @p0 $0xFFFFC180;
	s8 =	simm.s32 @p0 $0xA  }
0x80: {  	_ =	swait.ge @p0 [sflag:s8], $0x7D0  }
0x81: {  	s9 =	simm.s32 @!p0 $0x2800;
	[sflag:s8] =	ssyncset.done @p0 $0x0  }
0x82: {  	s16 =	simm.s32 @!p0 $0x0;
	[sflag:s8] =	ssyncadd.s32 @p0 $0xFFFFF830;
	s8 =	sadd.s32 @!p0 s14, s20  }
0x83: {  	[tilespmem:s9], [sflag:$0x1] =	stream.linear.gather @!p0 [hbm4b:s8+s16], $0x3E80, $0x38;
	[tilespmem:$0x13DD0] =	vst v63  }
0x84: {  	s8 =	simm.s32 @!p0 $0x6  }
0x85: {  	_ =	swait.ge @!p0 [sflag:s8], $0x3E80  }
0x86: {  	[sflag:s8] =	ssyncset.done @!p0 $0x0  }
0x87: {  	[sflag:s8] =	ssyncadd.s32 @!p0 $0xFFFFC180;
	s8 =	simm.s32 @!p0 $0xA  }
0x88: {  	_ =	swait.ge @!p0 [sflag:s8], $0x7D0  }
0x89: {  	[sflag:s8] =	ssyncset.done @!p0 $0x0  }
0x8a: {  	s9 =	simm.s32 @!p0 $0x6680;
	[sflag:s8] =	ssyncadd.s32 @!p0 $0xFFFFF830;
	s8 =	sadd.s32 @!p0 s14, s19  }
0x8b: {  	[tilespmem:s9], [sflag:$0x2] =	stream.linear.gather @!p0 [hbm4b:s8+s16], $0x3E80, $0x38;
	[tilespmem:$0x13DD0] =	vst v63  }
0x8c: {  	_ =	swait.ge [sflag:s7], $0x3E80  }
.Ltmp3:
0x8d: {  	[sflag:s7] =	ssyncset.done $0x0;
	(pc) =	sbr.rel @p0 .LBB2_6-.Ltmp3, $4  }
0x8e: {  	[sflag:s7] =	ssyncadd.s32 $0xFFFFC180  }
0x8f: {  	_ =	swait.ge [sflag:s10], $0x7D0  }
0x90: {  	[sflag:s10] =	ssyncset.done $0x0  }
0x91: {  	[sflag:s10] =	ssyncadd.s32 $0xFFFFF830  }
0x92: {  	s8 =	sadd.s32 s14, s18  }
0x93: {  	[tilespmem:s26], [sflag:$0x3] =	stream.linear.gather [hbm4b:s8+s4], $0x3E80, $0x38;
	[tilespmem:$0x13DD0] =	vst v63  }
0x94: {  	_ =	swait.ge [sflag:s11], $0x3E80  }
0x95: {  	[sflag:s11] =	ssyncset.done $0x0  }
.Ltmp4:
0x96: {  	[sflag:s11] =	ssyncadd.s32 $0xFFFFC180;
	(pc) =	sbr.rel .LBB2_4-.Ltmp4, $4  }
0x97: {  	_ =	swait.ge [sflag:s12], $0x7D0  }
0x98: {  	s16 =	sadd.s32 s14, s17;
	[sflag:s12] =	ssyncset.done $0x0  }
0x99: {  	s14 =	sadd.s32 $0x1F40, s14;
	s15 =	sadd.s32 $0x200, s15;
	[sflag:s12] =	ssyncadd.s32 $0xFFFFF830  }
0x9a: {  	[tilespmem:s28], [sflag:$0x4] =	stream.linear.gather [hbm4b:s16+s4], $0x3E80, $0x38;
	[tilespmem:$0x13DD0] =	vst v63  }
.LBB2_7:
0x9b: {  	_ =	sfence.sel $0x180000  }
0x9c: {  	[bflag:$0x0] =	sbarrier.arrive $0xFFFF  }
0x9d: {  	_ =	strace $0x90000047  }
0x9e: {  	s0 =	stileid.u32;
	[bflag:$0x2] =	sbarrier.arrive $0xFFFF  }
0x9f: {  	p0 =	sne.s32 s0, $0x0;
	s0 =	rddreg [dreg:$0x5]  }
0xa0: {  	s0 =	sadd.s32 @!p0 $0x100000, s0  }
0xa1: {  	[sflag:s0] =	ssyncadd.tile.s32 @!p0 $0x1;
	_ =	shalt  }
.Lfunc_end2:
_tile_overlayer_lowered:
.L_overlay_start_2:
0xa2: {  	(tag) =	ssettag $0x2  }
0xa3: {  	s0 =	rddreg [dreg:$0x0];
	s2 =	stileid.u32  }
0xa4: {  	s1 =	rddreg [dreg:$0x1];
	p0 =	sne.s32 s2, $0x0  }
0xa5: {  	s3 =	rddreg [dreg:$0x2];
	[bflag:$0x3] =	sbarrier.arrive $0xFFFF;
	s2 =	simm.s32 @!p0 $0x1C0D  }
0xa6: {  	[timem:s3], [sflag:s2] =	dma.local @!p0 [hbm:s0], s1  }
0xa7: {  	s0 =	simm.s32 @!p0 $0xD  }
0xa8: {  	_ =	swait.ge @!p0 [sflag:s0], s1  }
0xa9: {  	s1 =	ssub.s32 @!p0 $0x0, s1;
	[sflag:s0] =	ssyncset.done @!p0 $0x0  }
0xaa: {  	[sflag:s0] =	ssyncadd.s32 @!p0 s1  }
0xab: {  	[bflag:$0x3] =	sbarrier.arrive $0xFFFF  }
0xac: {  	_ =	shalt  }

</sc_bundles>
